<compile_context>
chip_gen: v7x
topology: tpu7x:2x2x1
jax: 0.10.2.dev20260603
libtpu: 0.0.44.dev20260713+nightly
codegen_flags: <defaults>
</compile_context>

<pallas_src>
import math

import jax
import jax.numpy as jnp
from jax import lax
from jax.experimental import pallas as pl
from jax.experimental.pallas import tpu as pltpu
from jax.experimental.pallas import tpu_sc as plsc

_NC = 2
_NS = 16
_NW = _NC * _NS

_BATCH = 16384
_SEQ = 50
_EMB = 32
_TOTAL = _BATCH * _SEQ
_SCALE = math.sqrt(float(_EMB))

_LANE = 128
_TROW = 4
_CH = _TROW * _LANE
_ROWS_PER_W = _TOTAL // _NW // _LANE
_NCHUNK = _ROWS_PER_W // _TROW
_OUT_ROWS_CH = _CH * _EMB // _LANE


def _emb_body(tok_hbm, tab_hbm, out_hbm,
              idx0, idx1, rows0, rows1, out0, out1, sg0, sg1):
    wid = lax.axis_index("s") * _NC + lax.axis_index("c")
    tok_base = wid * _ROWS_PER_W
    out_base = wid * (_ROWS_PER_W * _EMB)

    def stage_and_fire(c, idx_b, rows_b, sg):
        pltpu.sync_copy(tok_hbm.at[pl.ds(tok_base + c * _TROW, _TROW)], idx_b)
        for j in range(_TROW):
            pltpu.async_copy(
                tab_hbm.at[idx_b.at[j]],
                rows_b.at[pl.ds(j * _LANE, _LANE)],
                sg,
            )

    stage_and_fire(0, idx0, rows0, sg0)
    stage_and_fire(1, idx1, rows1, sg1)

    def pair(p, carry):
        for b, idx_b, rows_b, out_b, sg in (
            (0, idx0, rows0, out0, sg0),
            (1, idx1, rows1, out1, sg1),
        ):
            c = p * 2 + b
            for j in range(_TROW):
                pltpu.make_async_copy(
                    tab_hbm.at[idx_b.at[j]],
                    rows_b.at[pl.ds(j * _LANE, _LANE)],
                    sg,
                ).wait()

            def scale(i, carry2):
                for u in range(4):
                    for h in range(2):
                        out_b[i, pl.ds(u * 32 + h * 16, 16)] = (
                            rows_b[i * 4 + u, pl.ds(h * 16, 16)] * _SCALE
                        )
                return carry2

            lax.fori_loop(0, _OUT_ROWS_CH, scale, 0)

            @pl.when(c + 2 < _NCHUNK)
            def _prefetch(c=c, idx_b=idx_b, rows_b=rows_b, sg=sg):
                stage_and_fire(c + 2, idx_b, rows_b, sg)

            pltpu.sync_copy(
                out_b,
                out_hbm.at[pl.ds(out_base + c * _OUT_ROWS_CH, _OUT_ROWS_CH)],
            )
        return carry

    lax.fori_loop(0, _NCHUNK // 2, pair, 0)


_mesh = plsc.VectorSubcoreMesh(
    core_axis_name="c", subcore_axis_name="s", num_cores=_NC, num_subcores=_NS
)

_emb_call = pl.kernel(
    _emb_body,
    out_type=jax.ShapeDtypeStruct((_TOTAL * _EMB // _LANE, _LANE), jnp.float32),
    mesh=_mesh,
    scratch_types=[
        pltpu.VMEM((_TROW, _LANE), jnp.int32),
        pltpu.VMEM((_TROW, _LANE), jnp.int32),
        pltpu.VMEM((_CH, _EMB), jnp.float32),
        pltpu.VMEM((_CH, _EMB), jnp.float32),
        pltpu.VMEM((_OUT_ROWS_CH, _LANE), jnp.float32),
        pltpu.VMEM((_OUT_ROWS_CH, _LANE), jnp.float32),
        pltpu.SemaphoreType.DMA,
        pltpu.SemaphoreType.DMA,
    ],
    compiler_params=pltpu.CompilerParams(
        use_tc_tiling_on_sc=False, needs_layout_passes=False
    ),
)


@jax.jit
def kernel(tokens, embedding):
    tok = tokens.reshape(_TOTAL // _LANE, _LANE)
    out = _emb_call(tok, embedding)
    return out.reshape(_BATCH, _SEQ, _EMB)

# --- scband reference (transcript-rebuilt; emitter-appended) ---
"""Pipeline reference for scband-token-embedding-15109694947453 (READ-ONLY COPY).

The authoritative reference and input builder live on the scoring server;
editing this copy changes nothing except your own understanding.
"""

import jax, jax.numpy as jnp
import numpy as np
import math

VOCAB_SIZE = 1000000
EMB_SIZE = 32
BATCH = 16384
SEQ = 50

def setup_inputs(seed: int = 0) -> dict:
    key = jax.random.key(seed)
    k_tok, k_emb = jax.random.split(key)
    tokens = jax.random.randint(k_tok, (BATCH, SEQ), 0, VOCAB_SIZE, dtype=jnp.int64 if jax.config.jax_enable_x64 else jnp.int32)
    embedding = jax.random.normal(k_emb, (VOCAB_SIZE, EMB_SIZE), dtype=jnp.float32)
    return {"tokens": tokens, "embedding": embedding}

def reference(tokens, embedding):
    # nn.Embedding lookup: table[tokens], then scale by sqrt(emb_size)
    emb = jnp.take(embedding, tokens, axis=0)
    return emb * math.sqrt(EMB_SIZE)

if __name__ == "__main__":
    import jax
    _d = setup_inputs()
    print(jax.jit(kernel)(*tuple(_d.values())))

</pallas_src>

<mosaic_0001>
#map = affine_map<(d0, d1) -> (0, 0)>
module attributes {stable_mosaic.version = 14 : i64} {
  func.func @_emb_body(%arg0: i32, %arg1: i32, %arg2: memref<6400x128xi32, #tpu.memory_space<hbm>>, %arg3: memref<1000000x32xf32, #tpu.memory_space<hbm>>, %arg4: memref<204800x128xf32, #tpu.memory_space<hbm>>, %arg5: memref<4x128xi32, #tpu.memory_space<vmem>>, %arg6: memref<4x128xi32, #tpu.memory_space<vmem>>, %arg7: memref<512x32xf32, #tpu.memory_space<vmem>>, %arg8: memref<512x32xf32, #tpu.memory_space<vmem>>, %arg9: memref<128x128xf32, #tpu.memory_space<vmem>>, %arg10: memref<128x128xf32, #tpu.memory_space<vmem>>, %arg11: memref<!tpu.dma_semaphore, #tpu.memory_space<semaphore_mem>>, %arg12: memref<!tpu.dma_semaphore, #tpu.memory_space<semaphore_mem>>) attributes {dimension_semantics = [#tpu.dimension_semantics<core_parallel>, #tpu.dimension_semantics<subcore_parallel>], iteration_bounds = array<i64: 2, 16>, scalar_prefetch = 0 : i64, scratch_operands = 8 : i64, tpu.core_type = #tpu.core_type<sc_vector_subcore>, window_params = [{transform_indices = #map}, {transform_indices = #map}, {transform_indices = #map}]} {
    %mul3A = arith.constant 2 : i32
    %mul3A_0 = arith.muli %arg1, %mul3A : i32
    %add3A = arith.addi %mul3A_0, %arg0 : i32
    %mul3A_1 = arith.constant 200 : i32
    %mul3A_2 = arith.muli %add3A, %mul3A_1 : i32
    %mul3A_3 = arith.constant 6400 : i32
    %mul3A_4 = arith.muli %add3A, %mul3A_3 : i32
    %add3A_5 = arith.constant 0 : i32
    %add3A_6 = arith.addi %mul3A_2, %add3A_5 : i32
    "tpu.region"() ({
      %run_scoped3A = tpu.sem_alloc : memref<!tpu.dma_semaphore, #tpu.memory_space<semaphore_mem>>
      %dma_start3A_93 = arith.constant 0 : i32
      %dma_start3A_94 = tpu.memref_slice %arg2[%add3A_6, %dma_start3A_93] : memref<6400x128xi32, #tpu.memory_space<hbm>> -> memref<4x128xi32, #tpu.memory_space<hbm>>
      %dma_start3A_95 = arith.constant 0 : i32
      %dma_start3A_96 = tpu.memref_slice %arg2[%add3A_6, %dma_start3A_95] : memref<6400x128xi32, #tpu.memory_space<hbm>> -> memref<4x128xi32, #tpu.memory_space<hbm>>
      tpu.enqueue_dma source(%dma_start3A_96 : memref<4x128xi32, #tpu.memory_space<hbm>>) target(%arg5 : memref<4x128xi32, #tpu.memory_space<vmem>>) target_semaphore(%run_scoped3A : memref<!tpu.dma_semaphore, #tpu.memory_space<semaphore_mem>>)
      %dma_wait3A = arith.constant 0 : i32
      %dma_wait3A_97 = tpu.memref_slice %arg2[%add3A_6, %dma_wait3A] : memref<6400x128xi32, #tpu.memory_space<hbm>> -> memref<4x128xi32, #tpu.memory_space<hbm>>
      %dma_wait3A_98 = arith.constant 0 : i32
      %dma_wait3A_99 = tpu.memref_slice %arg2[%add3A_6, %dma_wait3A_98] : memref<6400x128xi32, #tpu.memory_space<hbm>> -> memref<4x128xi32, #tpu.memory_space<hbm>>
      tpu.wait_dma2 semaphore(%run_scoped3A : memref<!tpu.dma_semaphore, #tpu.memory_space<semaphore_mem>>) src(%dma_wait3A_99 : memref<4x128xi32, #tpu.memory_space<hbm>>) dst(%arg5 : memref<4x128xi32, #tpu.memory_space<vmem>>)
      tpu.yield
    }) : () -> ()
    %dma_start3A = arith.constant 0 : i32
    %dma_start3A_7 = arith.constant 0 : i32
    %dma_start3A_8 = arith.constant 0 : i32
    %dma_start3A_9 = tpu.memref_slice %arg7[%dma_start3A_7, %dma_start3A_8] : memref<512x32xf32, #tpu.memory_space<vmem>> -> memref<128x32xf32, #tpu.memory_space<vmem>>
    %dma_start3A_10 = arith.constant 0 : i32
    %dma_start3A_11 = tpu.memref_slice %arg5[%dma_start3A, %dma_start3A_10] : memref<4x128xi32, #tpu.memory_space<vmem>> -> memref<1x128xi32, #tpu.memory_space<vmem>>
    %dma_start3A_12 = tpu.memref_squeeze %dma_start3A_11 : memref<1x128xi32, #tpu.memory_space<vmem>> -> memref<128xi32, #tpu.memory_space<vmem>>
    %dma_start3A_13 = arith.constant 0 : i32
    %dma_start3A_14 = arith.constant 0 : i32
    %dma_start3A_15 = tpu.memref_slice %arg3[%dma_start3A_13, %dma_start3A_14] : memref<1000000x32xf32, #tpu.memory_space<hbm>> -> memref<1000000x32xf32, #tpu.memory_space<hbm>>
    tpu.enqueue_indirect_dma source(%dma_start3A_15 : memref<1000000x32xf32, #tpu.memory_space<hbm>>) target(%dma_start3A_9 : memref<128x32xf32, #tpu.memory_space<vmem>>) offsets(%dma_start3A_12 : memref<128xi32, #tpu.memory_space<vmem>>) semaphore(%arg11 : memref<!tpu.dma_semaphore, #tpu.memory_space<semaphore_mem>>)
    %dma_start3A_16 = arith.constant 1 : i32
    %dma_start3A_17 = arith.constant 128 : i32
    %dma_start3A_18 = arith.constant 0 : i32
    %dma_start3A_19 = tpu.memref_slice %arg7[%dma_start3A_17, %dma_start3A_18] : memref<512x32xf32, #tpu.memory_space<vmem>> -> memref<128x32xf32, #tpu.memory_space<vmem>>
    %dma_start3A_20 = arith.constant 0 : i32
    %dma_start3A_21 = tpu.memref_slice %arg5[%dma_start3A_16, %dma_start3A_20] : memref<4x128xi32, #tpu.memory_space<vmem>> -> memref<1x128xi32, #tpu.memory_space<vmem>>
    %dma_start3A_22 = tpu.memref_squeeze %dma_start3A_21 : memref<1x128xi32, #tpu.memory_space<vmem>> -> memref<128xi32, #tpu.memory_space<vmem>>
    %dma_start3A_23 = arith.constant 0 : i32
    %dma_start3A_24 = arith.constant 0 : i32
    %dma_start3A_25 = tpu.memref_slice %arg3[%dma_start3A_23, %dma_start3A_24] : memref<1000000x32xf32, #tpu.memory_space<hbm>> -> memref<1000000x32xf32, #tpu.memory_space<hbm>>
    tpu.enqueue_indirect_dma source(%dma_start3A_25 : memref<1000000x32xf32, #tpu.memory_space<hbm>>) target(%dma_start3A_19 : memref<128x32xf32, #tpu.memory_space<vmem>>) offsets(%dma_start3A_22 : memref<128xi32, #tpu.memory_space<vmem>>) semaphore(%arg11 : memref<!tpu.dma_semaphore, #tpu.memory_space<semaphore_mem>>)
    %dma_start3A_26 = arith.constant 2 : i32
    %dma_start3A_27 = arith.constant 256 : i32
    %dma_start3A_28 = arith.constant 0 : i32
    %dma_start3A_29 = tpu.memref_slice %arg7[%dma_start3A_27, %dma_start3A_28] : memref<512x32xf32, #tpu.memory_space<vmem>> -> memref<128x32xf32, #tpu.memory_space<vmem>>
    %dma_start3A_30 = arith.constant 0 : i32
    %dma_start3A_31 = tpu.memref_slice %arg5[%dma_start3A_26, %dma_start3A_30] : memref<4x128xi32, #tpu.memory_space<vmem>> -> memref<1x128xi32, #tpu.memory_space<vmem>>
    %dma_start3A_32 = tpu.memref_squeeze %dma_start3A_31 : memref<1x128xi32, #tpu.memory_space<vmem>> -> memref<128xi32, #tpu.memory_space<vmem>>
    %dma_start3A_33 = arith.constant 0 : i32
    %dma_start3A_34 = arith.constant 0 : i32
    %dma_start3A_35 = tpu.memref_slice %arg3[%dma_start3A_33, %dma_start3A_34] : memref<1000000x32xf32, #tpu.memory_space<hbm>> -> memref<1000000x32xf32, #tpu.memory_space<hbm>>
    tpu.enqueue_indirect_dma source(%dma_start3A_35 : memref<1000000x32xf32, #tpu.memory_space<hbm>>) target(%dma_start3A_29 : memref<128x32xf32, #tpu.memory_space<vmem>>) offsets(%dma_start3A_32 : memref<128xi32, #tpu.memory_space<vmem>>) semaphore(%arg11 : memref<!tpu.dma_semaphore, #tpu.memory_space<semaphore_mem>>)
    %dma_start3A_36 = arith.constant 3 : i32
    %dma_start3A_37 = arith.constant 384 : i32
    %dma_start3A_38 = arith.constant 0 : i32
    %dma_start3A_39 = tpu.memref_slice %arg7[%dma_start3A_37, %dma_start3A_38] : memref<512x32xf32, #tpu.memory_space<vmem>> -> memref<128x32xf32, #tpu.memory_space<vmem>>
    %dma_start3A_40 = arith.constant 0 : i32
    %dma_start3A_41 = tpu.memref_slice %arg5[%dma_start3A_36, %dma_start3A_40] : memref<4x128xi32, #tpu.memory_space<vmem>> -> memref<1x128xi32, #tpu.memory_space<vmem>>
    %dma_start3A_42 = tpu.memref_squeeze %dma_start3A_41 : memref<1x128xi32, #tpu.memory_space<vmem>> -> memref<128xi32, #tpu.memory_space<vmem>>
    %dma_start3A_43 = arith.constant 0 : i32
    %dma_start3A_44 = arith.constant 0 : i32
    %dma_start3A_45 = tpu.memref_slice %arg3[%dma_start3A_43, %dma_start3A_44] : memref<1000000x32xf32, #tpu.memory_space<hbm>> -> memref<1000000x32xf32, #tpu.memory_space<hbm>>
    tpu.enqueue_indirect_dma source(%dma_start3A_45 : memref<1000000x32xf32, #tpu.memory_space<hbm>>) target(%dma_start3A_39 : memref<128x32xf32, #tpu.memory_space<vmem>>) offsets(%dma_start3A_42 : memref<128xi32, #tpu.memory_space<vmem>>) semaphore(%arg11 : memref<!tpu.dma_semaphore, #tpu.memory_space<semaphore_mem>>)
    %add3A_46 = arith.constant 4 : i32
    %add3A_47 = arith.addi %mul3A_2, %add3A_46 : i32
    "tpu.region"() ({
      %run_scoped3A = tpu.sem_alloc : memref<!tpu.dma_semaphore, #tpu.memory_space<semaphore_mem>>
      %dma_start3A_93 = arith.constant 0 : i32
      %dma_start3A_94 = tpu.memref_slice %arg2[%add3A_47, %dma_start3A_93] : memref<6400x128xi32, #tpu.memory_space<hbm>> -> memref<4x128xi32, #tpu.memory_space<hbm>>
      %dma_start3A_95 = arith.constant 0 : i32
      %dma_start3A_96 = tpu.memref_slice %arg2[%add3A_47, %dma_start3A_95] : memref<6400x128xi32, #tpu.memory_space<hbm>> -> memref<4x128xi32, #tpu.memory_space<hbm>>
      tpu.enqueue_dma source(%dma_start3A_96 : memref<4x128xi32, #tpu.memory_space<hbm>>) target(%arg6 : memref<4x128xi32, #tpu.memory_space<vmem>>) target_semaphore(%run_scoped3A : memref<!tpu.dma_semaphore, #tpu.memory_space<semaphore_mem>>)
      %dma_wait3A = arith.constant 0 : i32
      %dma_wait3A_97 = tpu.memref_slice %arg2[%add3A_47, %dma_wait3A] : memref<6400x128xi32, #tpu.memory_space<hbm>> -> memref<4x128xi32, #tpu.memory_space<hbm>>
      %dma_wait3A_98 = arith.constant 0 : i32
      %dma_wait3A_99 = tpu.memref_slice %arg2[%add3A_47, %dma_wait3A_98] : memref<6400x128xi32, #tpu.memory_space<hbm>> -> memref<4x128xi32, #tpu.memory_space<hbm>>
      tpu.wait_dma2 semaphore(%run_scoped3A : memref<!tpu.dma_semaphore, #tpu.memory_space<semaphore_mem>>) src(%dma_wait3A_99 : memref<4x128xi32, #tpu.memory_space<hbm>>) dst(%arg6 : memref<4x128xi32, #tpu.memory_space<vmem>>)
      tpu.yield
    }) : () -> ()
    %dma_start3A_48 = arith.constant 0 : i32
    %dma_start3A_49 = arith.constant 0 : i32
    %dma_start3A_50 = arith.constant 0 : i32
    %dma_start3A_51 = tpu.memref_slice %arg8[%dma_start3A_49, %dma_start3A_50] : memref<512x32xf32, #tpu.memory_space<vmem>> -> memref<128x32xf32, #tpu.memory_space<vmem>>
    %dma_start3A_52 = arith.constant 0 : i32
    %dma_start3A_53 = tpu.memref_slice %arg6[%dma_start3A_48, %dma_start3A_52] : memref<4x128xi32, #tpu.memory_space<vmem>> -> memref<1x128xi32, #tpu.memory_space<vmem>>
    %dma_start3A_54 = tpu.memref_squeeze %dma_start3A_53 : memref<1x128xi32, #tpu.memory_space<vmem>> -> memref<128xi32, #tpu.memory_space<vmem>>
    %dma_start3A_55 = arith.constant 0 : i32
    %dma_start3A_56 = arith.constant 0 : i32
    %dma_start3A_57 = tpu.memref_slice %arg3[%dma_start3A_55, %dma_start3A_56] : memref<1000000x32xf32, #tpu.memory_space<hbm>> -> memref<1000000x32xf32, #tpu.memory_space<hbm>>
    tpu.enqueue_indirect_dma source(%dma_start3A_57 : memref<1000000x32xf32, #tpu.memory_space<hbm>>) target(%dma_start3A_51 : memref<128x32xf32, #tpu.memory_space<vmem>>) offsets(%dma_start3A_54 : memref<128xi32, #tpu.memory_space<vmem>>) semaphore(%arg12 : memref<!tpu.dma_semaphore, #tpu.memory_space<semaphore_mem>>)
    %dma_start3A_58 = arith.constant 1 : i32
    %dma_start3A_59 = arith.constant 128 : i32
    %dma_start3A_60 = arith.constant 0 : i32
    %dma_start3A_61 = tpu.memref_slice %arg8[%dma_start3A_59, %dma_start3A_60] : memref<512x32xf32, #tpu.memory_space<vmem>> -> memref<128x32xf32, #tpu.memory_space<vmem>>
    %dma_start3A_62 = arith.constant 0 : i32
    %dma_start3A_63 = tpu.memref_slice %arg6[%dma_start3A_58, %dma_start3A_62] : memref<4x128xi32, #tpu.memory_space<vmem>> -> memref<1x128xi32, #tpu.memory_space<vmem>>
    %dma_start3A_64 = tpu.memref_squeeze %dma_start3A_63 : memref<1x128xi32, #tpu.memory_space<vmem>> -> memref<128xi32, #tpu.memory_space<vmem>>
    %dma_start3A_65 = arith.constant 0 : i32
    %dma_start3A_66 = arith.constant 0 : i32
    %dma_start3A_67 = tpu.memref_slice %arg3[%dma_start3A_65, %dma_start3A_66] : memref<1000000x32xf32, #tpu.memory_space<hbm>> -> memref<1000000x32xf32, #tpu.memory_space<hbm>>
    tpu.enqueue_indirect_dma source(%dma_start3A_67 : memref<1000000x32xf32, #tpu.memory_space<hbm>>) target(%dma_start3A_61 : memref<128x32xf32, #tpu.memory_space<vmem>>) offsets(%dma_start3A_64 : memref<128xi32, #tpu.memory_space<vmem>>) semaphore(%arg12 : memref<!tpu.dma_semaphore, #tpu.memory_space<semaphore_mem>>)
    %dma_start3A_68 = arith.constant 2 : i32
    %dma_start3A_69 = arith.constant 256 : i32
    %dma_start3A_70 = arith.constant 0 : i32
    %dma_start3A_71 = tpu.memref_slice %arg8[%dma_start3A_69, %dma_start3A_70] : memref<512x32xf32, #tpu.memory_space<vmem>> -> memref<128x32xf32, #tpu.memory_space<vmem>>
    %dma_start3A_72 = arith.constant 0 : i32
    %dma_start3A_73 = tpu.memref_slice %arg6[%dma_start3A_68, %dma_start3A_72] : memref<4x128xi32, #tpu.memory_space<vmem>> -> memref<1x128xi32, #tpu.memory_space<vmem>>
    %dma_start3A_74 = tpu.memref_squeeze %dma_start3A_73 : memref<1x128xi32, #tpu.memory_space<vmem>> -> memref<128xi32, #tpu.memory_space<vmem>>
    %dma_start3A_75 = arith.constant 0 : i32
    %dma_start3A_76 = arith.constant 0 : i32
    %dma_start3A_77 = tpu.memref_slice %arg3[%dma_start3A_75, %dma_start3A_76] : memref<1000000x32xf32, #tpu.memory_space<hbm>> -> memref<1000000x32xf32, #tpu.memory_space<hbm>>
    tpu.enqueue_indirect_dma source(%dma_start3A_77 : memref<1000000x32xf32, #tpu.memory_space<hbm>>) target(%dma_start3A_71 : memref<128x32xf32, #tpu.memory_space<vmem>>) offsets(%dma_start3A_74 : memref<128xi32, #tpu.memory_space<vmem>>) semaphore(%arg12 : memref<!tpu.dma_semaphore, #tpu.memory_space<semaphore_mem>>)
    %dma_start3A_78 = arith.constant 3 : i32
    %dma_start3A_79 = arith.constant 384 : i32
    %dma_start3A_80 = arith.constant 0 : i32
    %dma_start3A_81 = tpu.memref_slice %arg8[%dma_start3A_79, %dma_start3A_80] : memref<512x32xf32, #tpu.memory_space<vmem>> -> memref<128x32xf32, #tpu.memory_space<vmem>>
    %dma_start3A_82 = arith.constant 0 : i32
    %dma_start3A_83 = tpu.memref_slice %arg6[%dma_start3A_78, %dma_start3A_82] : memref<4x128xi32, #tpu.memory_space<vmem>> -> memref<1x128xi32, #tpu.memory_space<vmem>>
    %dma_start3A_84 = tpu.memref_squeeze %dma_start3A_83 : memref<1x128xi32, #tpu.memory_space<vmem>> -> memref<128xi32, #tpu.memory_space<vmem>>
    %dma_start3A_85 = arith.constant 0 : i32
    %dma_start3A_86 = arith.constant 0 : i32
    %dma_start3A_87 = tpu.memref_slice %arg3[%dma_start3A_85, %dma_start3A_86] : memref<1000000x32xf32, #tpu.memory_space<hbm>> -> memref<1000000x32xf32, #tpu.memory_space<hbm>>
    tpu.enqueue_indirect_dma source(%dma_start3A_87 : memref<1000000x32xf32, #tpu.memory_space<hbm>>) target(%dma_start3A_81 : memref<128x32xf32, #tpu.memory_space<vmem>>) offsets(%dma_start3A_84 : memref<128xi32, #tpu.memory_space<vmem>>) semaphore(%arg12 : memref<!tpu.dma_semaphore, #tpu.memory_space<semaphore_mem>>)
    %scan3A = arith.constant 0 : i32
    %scan3A_88 = arith.constant 0 : i32
    %scan3A_89 = arith.constant 25 : i32
    %scan3A_90 = arith.addi %scan3A_88, %scan3A_89 : i32
    %scan3A_91 = arith.constant 1 : i32
    scf.for %scan3A_93 = %scan3A_88 to %scan3A_90 step %scan3A_91  : i32 {
      %mul3A_94 = arith.constant 2 : i32
      %mul3A_95 = arith.muli %scan3A_93, %mul3A_94 : i32
      %add3A_96 = arith.constant 0 : i32
      %add3A_97 = arith.addi %mul3A_95, %add3A_96 : i32
      %dma_wait3A = arith.constant 0 : i32
      %dma_wait3A_98 = arith.constant 0 : i32
      %dma_wait3A_99 = arith.constant 0 : i32
      %dma_wait3A_100 = tpu.memref_slice %arg7[%dma_wait3A_98, %dma_wait3A_99] : memref<512x32xf32, #tpu.memory_space<vmem>> -> memref<128x32xf32, #tpu.memory_space<vmem>>
      %dma_wait3A_101 = arith.constant 0 : i32
      %dma_wait3A_102 = tpu.memref_slice %arg5[%dma_wait3A, %dma_wait3A_101] : memref<4x128xi32, #tpu.memory_space<vmem>> -> memref<1x128xi32, #tpu.memory_space<vmem>>
      %dma_wait3A_103 = tpu.memref_squeeze %dma_wait3A_102 : memref<1x128xi32, #tpu.memory_space<vmem>> -> memref<128xi32, #tpu.memory_space<vmem>>
      %dma_wait3A_104 = arith.constant 0 : i32
      %dma_wait3A_105 = arith.constant 0 : i32
      %dma_wait3A_106 = tpu.memref_slice %arg3[%dma_wait3A_104, %dma_wait3A_105] : memref<1000000x32xf32, #tpu.memory_space<hbm>> -> memref<1000000x32xf32, #tpu.memory_space<hbm>>
      tpu.wait_indirect_dma semaphore(%arg11 : memref<!tpu.dma_semaphore, #tpu.memory_space<semaphore_mem>>) src(%dma_wait3A_106 : memref<1000000x32xf32, #tpu.memory_space<hbm>>) dst(%dma_wait3A_100 : memref<128x32xf32, #tpu.memory_space<vmem>>)
      %dma_wait3A_107 = arith.constant 1 : i32
      %dma_wait3A_108 = arith.constant 128 : i32
      %dma_wait3A_109 = arith.constant 0 : i32
      %dma_wait3A_110 = tpu.memref_slice %arg7[%dma_wait3A_108, %dma_wait3A_109] : memref<512x32xf32, #tpu.memory_space<vmem>> -> memref<128x32xf32, #tpu.memory_space<vmem>>
      %dma_wait3A_111 = arith.constant 0 : i32
      %dma_wait3A_112 = tpu.memref_slice %arg5[%dma_wait3A_107, %dma_wait3A_111] : memref<4x128xi32, #tpu.memory_space<vmem>> -> memref<1x128xi32, #tpu.memory_space<vmem>>
      %dma_wait3A_113 = tpu.memref_squeeze %dma_wait3A_112 : memref<1x128xi32, #tpu.memory_space<vmem>> -> memref<128xi32, #tpu.memory_space<vmem>>
      %dma_wait3A_114 = arith.constant 0 : i32
      %dma_wait3A_115 = arith.constant 0 : i32
      %dma_wait3A_116 = tpu.memref_slice %arg3[%dma_wait3A_114, %dma_wait3A_115] : memref<1000000x32xf32, #tpu.memory_space<hbm>> -> memref<1000000x32xf32, #tpu.memory_space<hbm>>
      tpu.wait_indirect_dma semaphore(%arg11 : memref<!tpu.dma_semaphore, #tpu.memory_space<semaphore_mem>>) src(%dma_wait3A_116 : memref<1000000x32xf32, #tpu.memory_space<hbm>>) dst(%dma_wait3A_110 : memref<128x32xf32, #tpu.memory_space<vmem>>)
      %dma_wait3A_117 = arith.constant 2 : i32
      %dma_wait3A_118 = arith.constant 256 : i32
      %dma_wait3A_119 = arith.constant 0 : i32
      %dma_wait3A_120 = tpu.memref_slice %arg7[%dma_wait3A_118, %dma_wait3A_119] : memref<512x32xf32, #tpu.memory_space<vmem>> -> memref<128x32xf32, #tpu.memory_space<vmem>>
      %dma_wait3A_121 = arith.constant 0 : i32
      %dma_wait3A_122 = tpu.memref_slice %arg5[%dma_wait3A_117, %dma_wait3A_121] : memref<4x128xi32, #tpu.memory_space<vmem>> -> memref<1x128xi32, #tpu.memory_space<vmem>>
      %dma_wait3A_123 = tpu.memref_squeeze %dma_wait3A_122 : memref<1x128xi32, #tpu.memory_space<vmem>> -> memref<128xi32, #tpu.memory_space<vmem>>
      %dma_wait3A_124 = arith.constant 0 : i32
      %dma_wait3A_125 = arith.constant 0 : i32
      %dma_wait3A_126 = tpu.memref_slice %arg3[%dma_wait3A_124, %dma_wait3A_125] : memref<1000000x32xf32, #tpu.memory_space<hbm>> -> memref<1000000x32xf32, #tpu.memory_space<hbm>>
      tpu.wait_indirect_dma semaphore(%arg11 : memref<!tpu.dma_semaphore, #tpu.memory_space<semaphore_mem>>) src(%dma_wait3A_126 : memref<1000000x32xf32, #tpu.memory_space<hbm>>) dst(%dma_wait3A_120 : memref<128x32xf32, #tpu.memory_space<vmem>>)
      %dma_wait3A_127 = arith.constant 3 : i32
      %dma_wait3A_128 = arith.constant 384 : i32
      %dma_wait3A_129 = arith.constant 0 : i32
      %dma_wait3A_130 = tpu.memref_slice %arg7[%dma_wait3A_128, %dma_wait3A_129] : memref<512x32xf32, #tpu.memory_space<vmem>> -> memref<128x32xf32, #tpu.memory_space<vmem>>
      %dma_wait3A_131 = arith.constant 0 : i32
      %dma_wait3A_132 = tpu.memref_slice %arg5[%dma_wait3A_127, %dma_wait3A_131] : memref<4x128xi32, #tpu.memory_space<vmem>> -> memref<1x128xi32, #tpu.memory_space<vmem>>
      %dma_wait3A_133 = tpu.memref_squeeze %dma_wait3A_132 : memref<1x128xi32, #tpu.memory_space<vmem>> -> memref<128xi32, #tpu.memory_space<vmem>>
      %dma_wait3A_134 = arith.constant 0 : i32
      %dma_wait3A_135 = arith.constant 0 : i32
      %dma_wait3A_136 = tpu.memref_slice %arg3[%dma_wait3A_134, %dma_wait3A_135] : memref<1000000x32xf32, #tpu.memory_space<hbm>> -> memref<1000000x32xf32, #tpu.memory_space<hbm>>
      tpu.wait_indirect_dma semaphore(%arg11 : memref<!tpu.dma_semaphore, #tpu.memory_space<semaphore_mem>>) src(%dma_wait3A_136 : memref<1000000x32xf32, #tpu.memory_space<hbm>>) dst(%dma_wait3A_130 : memref<128x32xf32, #tpu.memory_space<vmem>>)
      %scan3A_137 = arith.constant 0 : i32
      %scan3A_138 = arith.constant 0 : i32
      %scan3A_139 = arith.constant 128 : i32
      %scan3A_140 = arith.addi %scan3A_138, %scan3A_139 : i32
      %scan3A_141 = arith.constant 1 : i32
      scf.for %scan3A_210 = %scan3A_138 to %scan3A_140 step %scan3A_141  : i32 {
        %mul3A_211 = arith.constant 4 : i32
        %mul3A_212 = arith.muli %scan3A_210, %mul3A_211 : i32
        %add3A_213 = arith.constant 0 : i32
        %add3A_214 = arith.addi %mul3A_212, %add3A_213 : i32
        %get3A = arith.index_cast %add3A_214 : i32 to index
        %get3A_215 = arith.constant 0 : index
        %get3A_216 = tpu.vector_load %arg7[%get3A, %get3A_215] {strides = array<i32>} : memref<512x32xf32, #tpu.memory_space<vmem>>, vector<16xf32>,
        %mul3A_217 = arith.constant 5.65685415 : f32
        %mul3A_218 = vector.broadcast %mul3A_217 : f32 to vector<16xf32>
        %mul3A_219 = arith.mulf %get3A_216, %mul3A_218 : vector<16xf32>
        %swap3A = arith.index_cast %scan3A_210 : i32 to index
        %swap3A_220 = arith.constant 0 : index
        %swap3A_221 = tpu.vector_load %arg9[%swap3A, %swap3A_220] {strides = array<i32>} : memref<128x128xf32, #tpu.memory_space<vmem>>, vector<16xf32>,
        tpu.vector_store %arg9[%swap3A, %swap3A_220], %mul3A_219 {strides = array<i32>} : memref<128x128xf32, #tpu.memory_space<vmem>>, vector<16xf32>,
        %mul3A_222 = arith.constant 4 : i32
        %mul3A_223 = arith.muli %scan3A_210, %mul3A_222 : i32
        %add3A_224 = arith.constant 0 : i32
        %add3A_225 = arith.addi %mul3A_223, %add3A_224 : i32
        %get3A_226 = arith.index_cast %add3A_225 : i32 to index
        %get3A_227 = arith.constant 16 : index
        %get3A_228 = tpu.vector_load %arg7[%get3A_226, %get3A_227] {strides = array<i32>} : memref<512x32xf32, #tpu.memory_space<vmem>>, vector<16xf32>,
        %mul3A_229 = arith.constant 5.65685415 : f32
        %mul3A_230 = vector.broadcast %mul3A_229 : f32 to vector<16xf32>
        %mul3A_231 = arith.mulf %get3A_228, %mul3A_230 : vector<16xf32>
        %swap3A_232 = arith.index_cast %scan3A_210 : i32 to index
        %swap3A_233 = arith.constant 16 : index
        %swap3A_234 = tpu.vector_load %arg9[%swap3A_232, %swap3A_233] {strides = array<i32>} : memref<128x128xf32, #tpu.memory_space<vmem>>, vector<16xf32>,
        tpu.vector_store %arg9[%swap3A_232, %swap3A_233], %mul3A_231 {strides = array<i32>} : memref<128x128xf32, #tpu.memory_space<vmem>>, vector<16xf32>,
        %mul3A_235 = arith.constant 4 : i32
        %mul3A_236 = arith.muli %scan3A_210, %mul3A_235 : i32
        %add3A_237 = arith.constant 1 : i32
        %add3A_238 = arith.addi %mul3A_236, %add3A_237 : i32
        %get3A_239 = arith.index_cast %add3A_238 : i32 to index
        %get3A_240 = arith.constant 0 : index
        %get3A_241 = tpu.vector_load %arg7[%get3A_239, %get3A_240] {strides = array<i32>} : memref<512x32xf32, #tpu.memory_space<vmem>>, vector<16xf32>,
        %mul3A_242 = arith.constant 5.65685415 : f32
        %mul3A_243 = vector.broadcast %mul3A_242 : f32 to vector<16xf32>
        %mul3A_244 = arith.mulf %get3A_241, %mul3A_243 : vector<16xf32>
        %swap3A_245 = arith.index_cast %scan3A_210 : i32 to index
        %swap3A_246 = arith.constant 32 : index
        %swap3A_247 = tpu.vector_load %arg9[%swap3A_245, %swap3A_246] {strides = array<i32>} : memref<128x128xf32, #tpu.memory_space<vmem>>, vector<16xf32>,
        tpu.vector_store %arg9[%swap3A_245, %swap3A_246], %mul3A_244 {strides = array<i32>} : memref<128x128xf32, #tpu.memory_space<vmem>>, vector<16xf32>,
        %mul3A_248 = arith.constant 4 : i32
        %mul3A_249 = arith.muli %scan3A_210, %mul3A_248 : i32
        %add3A_250 = arith.constant 1 : i32
        %add3A_251 = arith.addi %mul3A_249, %add3A_250 : i32
        %get3A_252 = arith.index_cast %add3A_251 : i32 to index
        %get3A_253 = arith.constant 16 : index
        %get3A_254 = tpu.vector_load %arg7[%get3A_252, %get3A_253] {strides = array<i32>} : memref<512x32xf32, #tpu.memory_space<vmem>>, vector<16xf32>,
        %mul3A_255 = arith.constant 5.65685415 : f32
        %mul3A_256 = vector.broadcast %mul3A_255 : f32 to vector<16xf32>
        %mul3A_257 = arith.mulf %get3A_254, %mul3A_256 : vector<16xf32>
        %swap3A_258 = arith.index_cast %scan3A_210 : i32 to index
        %swap3A_259 = arith.constant 48 : index
        %swap3A_260 = tpu.vector_load %arg9[%swap3A_258, %swap3A_259] {strides = array<i32>} : memref<128x128xf32, #tpu.memory_space<vmem>>, vector<16xf32>,
        tpu.vector_store %arg9[%swap3A_258, %swap3A_259], %mul3A_257 {strides = array<i32>} : memref<128x128xf32, #tpu.memory_space<vmem>>, vector<16xf32>,
        %mul3A_261 = arith.constant 4 : i32
        %mul3A_262 = arith.muli %scan3A_210, %mul3A_261 : i32
        %add3A_263 = arith.constant 2 : i32
        %add3A_264 = arith.addi %mul3A_262, %add3A_263 : i32
        %get3A_265 = arith.index_cast %add3A_264 : i32 to index
        %get3A_266 = arith.constant 0 : index
        %get3A_267 = tpu.vector_load %arg7[%get3A_265, %get3A_266] {strides = array<i32>} : memref<512x32xf32, #tpu.memory_space<vmem>>, vector<16xf32>,
        %mul3A_268 = arith.constant 5.65685415 : f32
        %mul3A_269 = vector.broadcast %mul3A_268 : f32 to vector<16xf32>
        %mul3A_270 = arith.mulf %get3A_267, %mul3A_269 : vector<16xf32>
        %swap3A_271 = arith.index_cast %scan3A_210 : i32 to index
        %swap3A_272 = arith.constant 64 : index
        %swap3A_273 = tpu.vector_load %arg9[%swap3A_271, %swap3A_272] {strides = array<i32>} : memref<128x128xf32, #tpu.memory_space<vmem>>, vector<16xf32>,
        tpu.vector_store %arg9[%swap3A_271, %swap3A_272], %mul3A_270 {strides = array<i32>} : memref<128x128xf32, #tpu.memory_space<vmem>>, vector<16xf32>,
        %mul3A_274 = arith.constant 4 : i32
        %mul3A_275 = arith.muli %scan3A_210, %mul3A_274 : i32
        %add3A_276 = arith.constant 2 : i32
        %add3A_277 = arith.addi %mul3A_275, %add3A_276 : i32
        %get3A_278 = arith.index_cast %add3A_277 : i32 to index
        %get3A_279 = arith.constant 16 : index
        %get3A_280 = tpu.vector_load %arg7[%get3A_278, %get3A_279] {strides = array<i32>} : memref<512x32xf32, #tpu.memory_space<vmem>>, vector<16xf32>,
        %mul3A_281 = arith.constant 5.65685415 : f32
        %mul3A_282 = vector.broadcast %mul3A_281 : f32 to vector<16xf32>
        %mul3A_283 = arith.mulf %get3A_280, %mul3A_282 : vector<16xf32>
        %swap3A_284 = arith.index_cast %scan3A_210 : i32 to index
        %swap3A_285 = arith.constant 80 : index
        %swap3A_286 = tpu.vector_load %arg9[%swap3A_284, %swap3A_285] {strides = array<i32>} : memref<128x128xf32, #tpu.memory_space<vmem>>, vector<16xf32>,
        tpu.vector_store %arg9[%swap3A_284, %swap3A_285], %mul3A_283 {strides = array<i32>} : memref<128x128xf32, #tpu.memory_space<vmem>>, vector<16xf32>,
        %mul3A_287 = arith.constant 4 : i32
        %mul3A_288 = arith.muli %scan3A_210, %mul3A_287 : i32
        %add3A_289 = arith.constant 3 : i32
        %add3A_290 = arith.addi %mul3A_288, %add3A_289 : i32
        %get3A_291 = arith.index_cast %add3A_290 : i32 to index
        %get3A_292 = arith.constant 0 : index
        %get3A_293 = tpu.vector_load %arg7[%get3A_291, %get3A_292] {strides = array<i32>} : memref<512x32xf32, #tpu.memory_space<vmem>>, vector<16xf32>,
        %mul3A_294 = arith.constant 5.65685415 : f32
        %mul3A_295 = vector.broadcast %mul3A_294 : f32 to vector<16xf32>
        %mul3A_296 = arith.mulf %get3A_293, %mul3A_295 : vector<16xf32>
        %swap3A_297 = arith.index_cast %scan3A_210 : i32 to index
        %swap3A_298 = arith.constant 96 : index
        %swap3A_299 = tpu.vector_load %arg9[%swap3A_297, %swap3A_298] {strides = array<i32>} : memref<128x128xf32, #tpu.memory_space<vmem>>, vector<16xf32>,
        tpu.vector_store %arg9[%swap3A_297, %swap3A_298], %mul3A_296 {strides = array<i32>} : memref<128x128xf32, #tpu.memory_space<vmem>>, vector<16xf32>,
        %mul3A_300 = arith.constant 4 : i32
        %mul3A_301 = arith.muli %scan3A_210, %mul3A_300 : i32
        %add3A_302 = arith.constant 3 : i32
        %add3A_303 = arith.addi %mul3A_301, %add3A_302 : i32
        %get3A_304 = arith.index_cast %add3A_303 : i32 to index
        %get3A_305 = arith.constant 16 : index
        %get3A_306 = tpu.vector_load %arg7[%get3A_304, %get3A_305] {strides = array<i32>} : memref<512x32xf32, #tpu.memory_space<vmem>>, vector<16xf32>,
        %mul3A_307 = arith.constant 5.65685415 : f32
        %mul3A_308 = vector.broadcast %mul3A_307 : f32 to vector<16xf32>
        %mul3A_309 = arith.mulf %get3A_306, %mul3A_308 : vector<16xf32>
        %swap3A_310 = arith.index_cast %scan3A_210 : i32 to index
        %swap3A_311 = arith.constant 112 : index
        %swap3A_312 = tpu.vector_load %arg9[%swap3A_310, %swap3A_311] {strides = array<i32>} : memref<128x128xf32, #tpu.memory_space<vmem>>, vector<16xf32>,
        tpu.vector_store %arg9[%swap3A_310, %swap3A_311], %mul3A_309 {strides = array<i32>} : memref<128x128xf32, #tpu.memory_space<vmem>>, vector<16xf32>,
      }
      %scan3A_142 = arith.constant 128 : i32
      %add3A_143 = arith.constant 2 : i32
      %add3A_144 = arith.addi %add3A_97, %add3A_143 : i32
      %lt3A = arith.constant 50 : i32
      %lt3A_145 = arith.cmpi slt, %add3A_144, %lt3A : i32
      %convert_element_type3A = arith.extui %lt3A_145 : i1 to i32
      %cond3A = arith.constant 0 : i32
      %cond3A_146 = arith.cmpi ne, %convert_element_type3A, %cond3A : i32
      scf.if %cond3A_146 {
        %add3A_210 = arith.constant 2 : i32
        %add3A_211 = arith.addi %add3A_97, %add3A_210 : i32
        %mul3A_212 = arith.constant 4 : i32
        %mul3A_213 = arith.muli %add3A_211, %mul3A_212 : i32
        %add3A_214 = arith.addi %mul3A_2, %mul3A_213 : i32
        "tpu.region"() ({
          %run_scoped3A = tpu.sem_alloc : memref<!tpu.dma_semaphore, #tpu.memory_space<semaphore_mem>>
          %dma_start3A_255 = arith.constant 0 : i32
          %dma_start3A_256 = tpu.memref_slice %arg2[%add3A_214, %dma_start3A_255] : memref<6400x128xi32, #tpu.memory_space<hbm>> -> memref<4x128xi32, #tpu.memory_space<hbm>>
          %dma_start3A_257 = arith.constant 0 : i32
          %dma_start3A_258 = tpu.memref_slice %arg2[%add3A_214, %dma_start3A_257] : memref<6400x128xi32, #tpu.memory_space<hbm>> -> memref<4x128xi32, #tpu.memory_space<hbm>>
          tpu.enqueue_dma source(%dma_start3A_258 : memref<4x128xi32, #tpu.memory_space<hbm>>) target(%arg5 : memref<4x128xi32, #tpu.memory_space<vmem>>) target_semaphore(%run_scoped3A : memref<!tpu.dma_semaphore, #tpu.memory_space<semaphore_mem>>)
          %dma_wait3A_259 = arith.constant 0 : i32
          %dma_wait3A_260 = tpu.memref_slice %arg2[%add3A_214, %dma_wait3A_259] : memref<6400x128xi32, #tpu.memory_space<hbm>> -> memref<4x128xi32, #tpu.memory_space<hbm>>
          %dma_wait3A_261 = arith.constant 0 : i32
          %dma_wait3A_262 = tpu.memref_slice %arg2[%add3A_214, %dma_wait3A_261] : memref<6400x128xi32, #tpu.memory_space<hbm>> -> memref<4x128xi32, #tpu.memory_space<hbm>>
          tpu.wait_dma2 semaphore(%run_scoped3A : memref<!tpu.dma_semaphore, #tpu.memory_space<semaphore_mem>>) src(%dma_wait3A_262 : memref<4x128xi32, #tpu.memory_space<hbm>>) dst(%arg5 : memref<4x128xi32, #tpu.memory_space<vmem>>)
          tpu.yield
        }) : () -> ()
        %dma_start3A_215 = arith.constant 0 : i32
        %dma_start3A_216 = arith.constant 0 : i32
        %dma_start3A_217 = arith.constant 0 : i32
        %dma_start3A_218 = tpu.memref_slice %arg7[%dma_start3A_216, %dma_start3A_217] : memref<512x32xf32, #tpu.memory_space<vmem>> -> memref<128x32xf32, #tpu.memory_space<vmem>>
        %dma_start3A_219 = arith.constant 0 : i32
        %dma_start3A_220 = tpu.memref_slice %arg5[%dma_start3A_215, %dma_start3A_219] : memref<4x128xi32, #tpu.memory_space<vmem>> -> memref<1x128xi32, #tpu.memory_space<vmem>>
        %dma_start3A_221 = tpu.memref_squeeze %dma_start3A_220 : memref<1x128xi32, #tpu.memory_space<vmem>> -> memref<128xi32, #tpu.memory_space<vmem>>
        %dma_start3A_222 = arith.constant 0 : i32
        %dma_start3A_223 = arith.constant 0 : i32
        %dma_start3A_224 = tpu.memref_slice %arg3[%dma_start3A_222, %dma_start3A_223] : memref<1000000x32xf32, #tpu.memory_space<hbm>> -> memref<1000000x32xf32, #tpu.memory_space<hbm>>
        tpu.enqueue_indirect_dma source(%dma_start3A_224 : memref<1000000x32xf32, #tpu.memory_space<hbm>>) target(%dma_start3A_218 : memref<128x32xf32, #tpu.memory_space<vmem>>) offsets(%dma_start3A_221 : memref<128xi32, #tpu.memory_space<vmem>>) semaphore(%arg11 : memref<!tpu.dma_semaphore, #tpu.memory_space<semaphore_mem>>)
        %dma_start3A_225 = arith.constant 1 : i32
        %dma_start3A_226 = arith.constant 128 : i32
        %dma_start3A_227 = arith.constant 0 : i32
        %dma_start3A_228 = tpu.memref_slice %arg7[%dma_start3A_226, %dma_start3A_227] : memref<512x32xf32, #tpu.memory_space<vmem>> -> memref<128x32xf32, #tpu.memory_space<vmem>>
        %dma_start3A_229 = arith.constant 0 : i32
        %dma_start3A_230 = tpu.memref_slice %arg5[%dma_start3A_225, %dma_start3A_229] : memref<4x128xi32, #tpu.memory_space<vmem>> -> memref<1x128xi32, #tpu.memory_space<vmem>>
        %dma_start3A_231 = tpu.memref_squeeze %dma_start3A_230 : memref<1x128xi32, #tpu.memory_space<vmem>> -> memref<128xi32, #tpu.memory_space<vmem>>
        %dma_start3A_232 = arith.constant 0 : i32
        %dma_start3A_233 = arith.constant 0 : i32
        %dma_start3A_234 = tpu.memref_slice %arg3[%dma_start3A_232, %dma_start3A_233] : memref<1000000x32xf32, #tpu.memory_space<hbm>> -> memref<1000000x32xf32, #tpu.memory_space<hbm>>
        tpu.enqueue_indirect_dma source(%dma_start3A_234 : memref<1000000x32xf32, #tpu.memory_space<hbm>>) target(%dma_start3A_228 : memref<128x32xf32, #tpu.memory_space<vmem>>) offsets(%dma_start3A_231 : memref<128xi32, #tpu.memory_space<vmem>>) semaphore(%arg11 : memref<!tpu.dma_semaphore, #tpu.memory_space<semaphore_mem>>)
        %dma_start3A_235 = arith.constant 2 : i32
        %dma_start3A_236 = arith.constant 256 : i32
        %dma_start3A_237 = arith.constant 0 : i32
        %dma_start3A_238 = tpu.memref_slice %arg7[%dma_start3A_236, %dma_start3A_237] : memref<512x32xf32, #tpu.memory_space<vmem>> -> memref<128x32xf32, #tpu.memory_space<vmem>>
        %dma_start3A_239 = arith.constant 0 : i32
        %dma_start3A_240 = tpu.memref_slice %arg5[%dma_start3A_235, %dma_start3A_239] : memref<4x128xi32, #tpu.memory_space<vmem>> -> memref<1x128xi32, #tpu.memory_space<vmem>>
        %dma_start3A_241 = tpu.memref_squeeze %dma_start3A_240 : memref<1x128xi32, #tpu.memory_space<vmem>> -> memref<128xi32, #tpu.memory_space<vmem>>
        %dma_start3A_242 = arith.constant 0 : i32
        %dma_start3A_243 = arith.constant 0 : i32
        %dma_start3A_244 = tpu.memref_slice %arg3[%dma_start3A_242, %dma_start3A_243] : memref<1000000x32xf32, #tpu.memory_space<hbm>> -> memref<1000000x32xf32, #tpu.memory_space<hbm>>
        tpu.enqueue_indirect_dma source(%dma_start3A_244 : memref<1000000x32xf32, #tpu.memory_space<hbm>>) target(%dma_start3A_238 : memref<128x32xf32, #tpu.memory_space<vmem>>) offsets(%dma_start3A_241 : memref<128xi32, #tpu.memory_space<vmem>>) semaphore(%arg11 : memref<!tpu.dma_semaphore, #tpu.memory_space<semaphore_mem>>)
        %dma_start3A_245 = arith.constant 3 : i32
        %dma_start3A_246 = arith.constant 384 : i32
        %dma_start3A_247 = arith.constant 0 : i32
        %dma_start3A_248 = tpu.memref_slice %arg7[%dma_start3A_246, %dma_start3A_247] : memref<512x32xf32, #tpu.memory_space<vmem>> -> memref<128x32xf32, #tpu.memory_space<vmem>>
        %dma_start3A_249 = arith.constant 0 : i32
        %dma_start3A_250 = tpu.memref_slice %arg5[%dma_start3A_245, %dma_start3A_249] : memref<4x128xi32, #tpu.memory_space<vmem>> -> memref<1x128xi32, #tpu.memory_space<vmem>>
        %dma_start3A_251 = tpu.memref_squeeze %dma_start3A_250 : memref<1x128xi32, #tpu.memory_space<vmem>> -> memref<128xi32, #tpu.memory_space<vmem>>
        %dma_start3A_252 = arith.constant 0 : i32
        %dma_start3A_253 = arith.constant 0 : i32
        %dma_start3A_254 = tpu.memref_slice %arg3[%dma_start3A_252, %dma_start3A_253] : memref<1000000x32xf32, #tpu.memory_space<hbm>> -> memref<1000000x32xf32, #tpu.memory_space<hbm>>
        tpu.enqueue_indirect_dma source(%dma_start3A_254 : memref<1000000x32xf32, #tpu.memory_space<hbm>>) target(%dma_start3A_248 : memref<128x32xf32, #tpu.memory_space<vmem>>) offsets(%dma_start3A_251 : memref<128xi32, #tpu.memory_space<vmem>>) semaphore(%arg11 : memref<!tpu.dma_semaphore, #tpu.memory_space<semaphore_mem>>)
      } else {
      }
      %mul3A_147 = arith.constant 128 : i32
      %mul3A_148 = arith.muli %add3A_97, %mul3A_147 : i32
      %add3A_149 = arith.addi %mul3A_4, %mul3A_148 : i32
      "tpu.region"() ({
        %run_scoped3A = tpu.sem_alloc : memref<!tpu.dma_semaphore, #tpu.memory_space<semaphore_mem>>
        %dma_start3A_210 = arith.constant 0 : i32
        %dma_start3A_211 = tpu.memref_slice %arg4[%add3A_149, %dma_start3A_210] : memref<204800x128xf32, #tpu.memory_space<hbm>> -> memref<128x128xf32, #tpu.memory_space<hbm>>
        %dma_start3A_212 = arith.constant 0 : i32
        %dma_start3A_213 = tpu.memref_slice %arg4[%add3A_149, %dma_start3A_212] : memref<204800x128xf32, #tpu.memory_space<hbm>> -> memref<128x128xf32, #tpu.memory_space<hbm>>
        tpu.enqueue_dma source(%arg9 : memref<128x128xf32, #tpu.memory_space<vmem>>) target(%dma_start3A_213 : memref<128x128xf32, #tpu.memory_space<hbm>>) target_semaphore(%run_scoped3A : memref<!tpu.dma_semaphore, #tpu.memory_space<semaphore_mem>>)
        %dma_wait3A_214 = arith.constant 0 : i32
        %dma_wait3A_215 = tpu.memref_slice %arg4[%add3A_149, %dma_wait3A_214] : memref<204800x128xf32, #tpu.memory_space<hbm>> -> memref<128x128xf32, #tpu.memory_space<hbm>>
        %dma_wait3A_216 = arith.constant 0 : i32
        %dma_wait3A_217 = tpu.memref_slice %arg4[%add3A_149, %dma_wait3A_216] : memref<204800x128xf32, #tpu.memory_space<hbm>> -> memref<128x128xf32, #tpu.memory_space<hbm>>
        tpu.wait_dma2 semaphore(%run_scoped3A : memref<!tpu.dma_semaphore, #tpu.memory_space<semaphore_mem>>) src(%arg9 : memref<128x128xf32, #tpu.memory_space<vmem>>) dst(%dma_wait3A_217 : memref<128x128xf32, #tpu.memory_space<hbm>>)
        tpu.yield
      }) : () -> ()
      %mul3A_150 = arith.constant 2 : i32
      %mul3A_151 = arith.muli %scan3A_93, %mul3A_150 : i32
      %add3A_152 = arith.constant 1 : i32
      %add3A_153 = arith.addi %mul3A_151, %add3A_152 : i32
      %dma_wait3A_154 = arith.constant 0 : i32
      %dma_wait3A_155 = arith.constant 0 : i32
      %dma_wait3A_156 = arith.constant 0 : i32
      %dma_wait3A_157 = tpu.memref_slice %arg8[%dma_wait3A_155, %dma_wait3A_156] : memref<512x32xf32, #tpu.memory_space<vmem>> -> memref<128x32xf32, #tpu.memory_space<vmem>>
      %dma_wait3A_158 = arith.constant 0 : i32
      %dma_wait3A_159 = tpu.memref_slice %arg6[%dma_wait3A_154, %dma_wait3A_158] : memref<4x128xi32, #tpu.memory_space<vmem>> -> memref<1x128xi32, #tpu.memory_space<vmem>>
      %dma_wait3A_160 = tpu.memref_squeeze %dma_wait3A_159 : memref<1x128xi32, #tpu.memory_space<vmem>> -> memref<128xi32, #tpu.memory_space<vmem>>
      %dma_wait3A_161 = arith.constant 0 : i32
      %dma_wait3A_162 = arith.constant 0 : i32
      %dma_wait3A_163 = tpu.memref_slice %arg3[%dma_wait3A_161, %dma_wait3A_162] : memref<1000000x32xf32, #tpu.memory_space<hbm>> -> memref<1000000x32xf32, #tpu.memory_space<hbm>>
      tpu.wait_indirect_dma semaphore(%arg12 : memref<!tpu.dma_semaphore, #tpu.memory_space<semaphore_mem>>) src(%dma_wait3A_163 : memref<1000000x32xf32, #tpu.memory_space<hbm>>) dst(%dma_wait3A_157 : memref<128x32xf32, #tpu.memory_space<vmem>>)
      %dma_wait3A_164 = arith.constant 1 : i32
      %dma_wait3A_165 = arith.constant 128 : i32
      %dma_wait3A_166 = arith.constant 0 : i32
      %dma_wait3A_167 = tpu.memref_slice %arg8[%dma_wait3A_165, %dma_wait3A_166] : memref<512x32xf32, #tpu.memory_space<vmem>> -> memref<128x32xf32, #tpu.memory_space<vmem>>
      %dma_wait3A_168 = arith.constant 0 : i32
      %dma_wait3A_169 = tpu.memref_slice %arg6[%dma_wait3A_164, %dma_wait3A_168] : memref<4x128xi32, #tpu.memory_space<vmem>> -> memref<1x128xi32, #tpu.memory_space<vmem>>
      %dma_wait3A_170 = tpu.memref_squeeze %dma_wait3A_169 : memref<1x128xi32, #tpu.memory_space<vmem>> -> memref<128xi32, #tpu.memory_space<vmem>>
      %dma_wait3A_171 = arith.constant 0 : i32
      %dma_wait3A_172 = arith.constant 0 : i32
      %dma_wait3A_173 = tpu.memref_slice %arg3[%dma_wait3A_171, %dma_wait3A_172] : memref<1000000x32xf32, #tpu.memory_space<hbm>> -> memref<1000000x32xf32, #tpu.memory_space<hbm>>
      tpu.wait_indirect_dma semaphore(%arg12 : memref<!tpu.dma_semaphore, #tpu.memory_space<semaphore_mem>>) src(%dma_wait3A_173 : memref<1000000x32xf32, #tpu.memory_space<hbm>>) dst(%dma_wait3A_167 : memref<128x32xf32, #tpu.memory_space<vmem>>)
      %dma_wait3A_174 = arith.constant 2 : i32
      %dma_wait3A_175 = arith.constant 256 : i32
      %dma_wait3A_176 = arith.constant 0 : i32
      %dma_wait3A_177 = tpu.memref_slice %arg8[%dma_wait3A_175, %dma_wait3A_176] : memref<512x32xf32, #tpu.memory_space<vmem>> -> memref<128x32xf32, #tpu.memory_space<vmem>>
      %dma_wait3A_178 = arith.constant 0 : i32
      %dma_wait3A_179 = tpu.memref_slice %arg6[%dma_wait3A_174, %dma_wait3A_178] : memref<4x128xi32, #tpu.memory_space<vmem>> -> memref<1x128xi32, #tpu.memory_space<vmem>>
      %dma_wait3A_180 = tpu.memref_squeeze %dma_wait3A_179 : memref<1x128xi32, #tpu.memory_space<vmem>> -> memref<128xi32, #tpu.memory_space<vmem>>
      %dma_wait3A_181 = arith.constant 0 : i32
      %dma_wait3A_182 = arith.constant 0 : i32
      %dma_wait3A_183 = tpu.memref_slice %arg3[%dma_wait3A_181, %dma_wait3A_182] : memref<1000000x32xf32, #tpu.memory_space<hbm>> -> memref<1000000x32xf32, #tpu.memory_space<hbm>>
      tpu.wait_indirect_dma semaphore(%arg12 : memref<!tpu.dma_semaphore, #tpu.memory_space<semaphore_mem>>) src(%dma_wait3A_183 : memref<1000000x32xf32, #tpu.memory_space<hbm>>) dst(%dma_wait3A_177 : memref<128x32xf32, #tpu.memory_space<vmem>>)
      %dma_wait3A_184 = arith.constant 3 : i32
      %dma_wait3A_185 = arith.constant 384 : i32
      %dma_wait3A_186 = arith.constant 0 : i32
      %dma_wait3A_187 = tpu.memref_slice %arg8[%dma_wait3A_185, %dma_wait3A_186] : memref<512x32xf32, #tpu.memory_space<vmem>> -> memref<128x32xf32, #tpu.memory_space<vmem>>
      %dma_wait3A_188 = arith.constant 0 : i32
      %dma_wait3A_189 = tpu.memref_slice %arg6[%dma_wait3A_184, %dma_wait3A_188] : memref<4x128xi32, #tpu.memory_space<vmem>> -> memref<1x128xi32, #tpu.memory_space<vmem>>
      %dma_wait3A_190 = tpu.memref_squeeze %dma_wait3A_189 : memref<1x128xi32, #tpu.memory_space<vmem>> -> memref<128xi32, #tpu.memory_space<vmem>>
      %dma_wait3A_191 = arith.constant 0 : i32
      %dma_wait3A_192 = arith.constant 0 : i32
      %dma_wait3A_193 = tpu.memref_slice %arg3[%dma_wait3A_191, %dma_wait3A_192] : memref<1000000x32xf32, #tpu.memory_space<hbm>> -> memref<1000000x32xf32, #tpu.memory_space<hbm>>
      tpu.wait_indirect_dma semaphore(%arg12 : memref<!tpu.dma_semaphore, #tpu.memory_space<semaphore_mem>>) src(%dma_wait3A_193 : memref<1000000x32xf32, #tpu.memory_space<hbm>>) dst(%dma_wait3A_187 : memref<128x32xf32, #tpu.memory_space<vmem>>)
      %scan3A_194 = arith.constant 0 : i32
      %scan3A_195 = arith.constant 0 : i32
      %scan3A_196 = arith.constant 128 : i32
      %scan3A_197 = arith.addi %scan3A_195, %scan3A_196 : i32
      %scan3A_198 = arith.constant 1 : i32
      scf.for %scan3A_210 = %scan3A_195 to %scan3A_197 step %scan3A_198  : i32 {
        %mul3A_211 = arith.constant 4 : i32
        %mul3A_212 = arith.muli %scan3A_210, %mul3A_211 : i32
        %add3A_213 = arith.constant 0 : i32
        %add3A_214 = arith.addi %mul3A_212, %add3A_213 : i32
        %get3A = arith.index_cast %add3A_214 : i32 to index
        %get3A_215 = arith.constant 0 : index
        %get3A_216 = tpu.vector_load %arg8[%get3A, %get3A_215] {strides = array<i32>} : memref<512x32xf32, #tpu.memory_space<vmem>>, vector<16xf32>,
        %mul3A_217 = arith.constant 5.65685415 : f32
        %mul3A_218 = vector.broadcast %mul3A_217 : f32 to vector<16xf32>
        %mul3A_219 = arith.mulf %get3A_216, %mul3A_218 : vector<16xf32>
        %swap3A = arith.index_cast %scan3A_210 : i32 to index
        %swap3A_220 = arith.constant 0 : index
        %swap3A_221 = tpu.vector_load %arg10[%swap3A, %swap3A_220] {strides = array<i32>} : memref<128x128xf32, #tpu.memory_space<vmem>>, vector<16xf32>,
        tpu.vector_store %arg10[%swap3A, %swap3A_220], %mul3A_219 {strides = array<i32>} : memref<128x128xf32, #tpu.memory_space<vmem>>, vector<16xf32>,
        %mul3A_222 = arith.constant 4 : i32
        %mul3A_223 = arith.muli %scan3A_210, %mul3A_222 : i32
        %add3A_224 = arith.constant 0 : i32
        %add3A_225 = arith.addi %mul3A_223, %add3A_224 : i32
        %get3A_226 = arith.index_cast %add3A_225 : i32 to index
        %get3A_227 = arith.constant 16 : index
        %get3A_228 = tpu.vector_load %arg8[%get3A_226, %get3A_227] {strides = array<i32>} : memref<512x32xf32, #tpu.memory_space<vmem>>, vector<16xf32>,
        %mul3A_229 = arith.constant 5.65685415 : f32
        %mul3A_230 = vector.broadcast %mul3A_229 : f32 to vector<16xf32>
        %mul3A_231 = arith.mulf %get3A_228, %mul3A_230 : vector<16xf32>
        %swap3A_232 = arith.index_cast %scan3A_210 : i32 to index
        %swap3A_233 = arith.constant 16 : index
        %swap3A_234 = tpu.vector_load %arg10[%swap3A_232, %swap3A_233] {strides = array<i32>} : memref<128x128xf32, #tpu.memory_space<vmem>>, vector<16xf32>,
        tpu.vector_store %arg10[%swap3A_232, %swap3A_233], %mul3A_231 {strides = array<i32>} : memref<128x128xf32, #tpu.memory_space<vmem>>, vector<16xf32>,
        %mul3A_235 = arith.constant 4 : i32
        %mul3A_236 = arith.muli %scan3A_210, %mul3A_235 : i32
        %add3A_237 = arith.constant 1 : i32
        %add3A_238 = arith.addi %mul3A_236, %add3A_237 : i32
        %get3A_239 = arith.index_cast %add3A_238 : i32 to index
        %get3A_240 = arith.constant 0 : index
        %get3A_241 = tpu.vector_load %arg8[%get3A_239, %get3A_240] {strides = array<i32>} : memref<512x32xf32, #tpu.memory_space<vmem>>, vector<16xf32>,
        %mul3A_242 = arith.constant 5.65685415 : f32
        %mul3A_243 = vector.broadcast %mul3A_242 : f32 to vector<16xf32>
        %mul3A_244 = arith.mulf %get3A_241, %mul3A_243 : vector<16xf32>
        %swap3A_245 = arith.index_cast %scan3A_210 : i32 to index
        %swap3A_246 = arith.constant 32 : index
        %swap3A_247 = tpu.vector_load %arg10[%swap3A_245, %swap3A_246] {strides = array<i32>} : memref<128x128xf32, #tpu.memory_space<vmem>>, vector<16xf32>,
        tpu.vector_store %arg10[%swap3A_245, %swap3A_246], %mul3A_244 {strides = array<i32>} : memref<128x128xf32, #tpu.memory_space<vmem>>, vector<16xf32>,
        %mul3A_248 = arith.constant 4 : i32
        %mul3A_249 = arith.muli %scan3A_210, %mul3A_248 : i32
        %add3A_250 = arith.constant 1 : i32
        %add3A_251 = arith.addi %mul3A_249, %add3A_250 : i32
        %get3A_252 = arith.index_cast %add3A_251 : i32 to index
        %get3A_253 = arith.constant 16 : index
        %get3A_254 = tpu.vector_load %arg8[%get3A_252, %get3A_253] {strides = array<i32>} : memref<512x32xf32, #tpu.memory_space<vmem>>, vector<16xf32>,
        %mul3A_255 = arith.constant 5.65685415 : f32
        %mul3A_256 = vector.broadcast %mul3A_255 : f32 to vector<16xf32>
        %mul3A_257 = arith.mulf %get3A_254, %mul3A_256 : vector<16xf32>
        %swap3A_258 = arith.index_cast %scan3A_210 : i32 to index
        %swap3A_259 = arith.constant 48 : index
        %swap3A_260 = tpu.vector_load %arg10[%swap3A_258, %swap3A_259] {strides = array<i32>} : memref<128x128xf32, #tpu.memory_space<vmem>>, vector<16xf32>,
        tpu.vector_store %arg10[%swap3A_258, %swap3A_259], %mul3A_257 {strides = array<i32>} : memref<128x128xf32, #tpu.memory_space<vmem>>, vector<16xf32>,
        %mul3A_261 = arith.constant 4 : i32
        %mul3A_262 = arith.muli %scan3A_210, %mul3A_261 : i32
        %add3A_263 = arith.constant 2 : i32
        %add3A_264 = arith.addi %mul3A_262, %add3A_263 : i32
        %get3A_265 = arith.index_cast %add3A_264 : i32 to index
        %get3A_266 = arith.constant 0 : index
        %get3A_267 = tpu.vector_load %arg8[%get3A_265, %get3A_266] {strides = array<i32>} : memref<512x32xf32, #tpu.memory_space<vmem>>, vector<16xf32>,
        %mul3A_268 = arith.constant 5.65685415 : f32
        %mul3A_269 = vector.broadcast %mul3A_268 : f32 to vector<16xf32>
        %mul3A_270 = arith.mulf %get3A_267, %mul3A_269 : vector<16xf32>
        %swap3A_271 = arith.index_cast %scan3A_210 : i32 to index
        %swap3A_272 = arith.constant 64 : index
        %swap3A_273 = tpu.vector_load %arg10[%swap3A_271, %swap3A_272] {strides = array<i32>} : memref<128x128xf32, #tpu.memory_space<vmem>>, vector<16xf32>,
        tpu.vector_store %arg10[%swap3A_271, %swap3A_272], %mul3A_270 {strides = array<i32>} : memref<128x128xf32, #tpu.memory_space<vmem>>, vector<16xf32>,
        %mul3A_274 = arith.constant 4 : i32
        %mul3A_275 = arith.muli %scan3A_210, %mul3A_274 : i32
        %add3A_276 = arith.constant 2 : i32
        %add3A_277 = arith.addi %mul3A_275, %add3A_276 : i32
        %get3A_278 = arith.index_cast %add3A_277 : i32 to index
        %get3A_279 = arith.constant 16 : index
        %get3A_280 = tpu.vector_load %arg8[%get3A_278, %get3A_279] {strides = array<i32>} : memref<512x32xf32, #tpu.memory_space<vmem>>, vector<16xf32>,
        %mul3A_281 = arith.constant 5.65685415 : f32
        %mul3A_282 = vector.broadcast %mul3A_281 : f32 to vector<16xf32>
        %mul3A_283 = arith.mulf %get3A_280, %mul3A_282 : vector<16xf32>
        %swap3A_284 = arith.index_cast %scan3A_210 : i32 to index
        %swap3A_285 = arith.constant 80 : index
        %swap3A_286 = tpu.vector_load %arg10[%swap3A_284, %swap3A_285] {strides = array<i32>} : memref<128x128xf32, #tpu.memory_space<vmem>>, vector<16xf32>,
        tpu.vector_store %arg10[%swap3A_284, %swap3A_285], %mul3A_283 {strides = array<i32>} : memref<128x128xf32, #tpu.memory_space<vmem>>, vector<16xf32>,
        %mul3A_287 = arith.constant 4 : i32
        %mul3A_288 = arith.muli %scan3A_210, %mul3A_287 : i32
        %add3A_289 = arith.constant 3 : i32
        %add3A_290 = arith.addi %mul3A_288, %add3A_289 : i32
        %get3A_291 = arith.index_cast %add3A_290 : i32 to index
        %get3A_292 = arith.constant 0 : index
        %get3A_293 = tpu.vector_load %arg8[%get3A_291, %get3A_292] {strides = array<i32>} : memref<512x32xf32, #tpu.memory_space<vmem>>, vector<16xf32>,
        %mul3A_294 = arith.constant 5.65685415 : f32
        %mul3A_295 = vector.broadcast %mul3A_294 : f32 to vector<16xf32>
        %mul3A_296 = arith.mulf %get3A_293, %mul3A_295 : vector<16xf32>
        %swap3A_297 = arith.index_cast %scan3A_210 : i32 to index
        %swap3A_298 = arith.constant 96 : index
        %swap3A_299 = tpu.vector_load %arg10[%swap3A_297, %swap3A_298] {strides = array<i32>} : memref<128x128xf32, #tpu.memory_space<vmem>>, vector<16xf32>,
        tpu.vector_store %arg10[%swap3A_297, %swap3A_298], %mul3A_296 {strides = array<i32>} : memref<128x128xf32, #tpu.memory_space<vmem>>, vector<16xf32>,
        %mul3A_300 = arith.constant 4 : i32
        %mul3A_301 = arith.muli %scan3A_210, %mul3A_300 : i32
        %add3A_302 = arith.constant 3 : i32
        %add3A_303 = arith.addi %mul3A_301, %add3A_302 : i32
        %get3A_304 = arith.index_cast %add3A_303 : i32 to index
        %get3A_305 = arith.constant 16 : index
        %get3A_306 = tpu.vector_load %arg8[%get3A_304, %get3A_305] {strides = array<i32>} : memref<512x32xf32, #tpu.memory_space<vmem>>, vector<16xf32>,
        %mul3A_307 = arith.constant 5.65685415 : f32
        %mul3A_308 = vector.broadcast %mul3A_307 : f32 to vector<16xf32>
        %mul3A_309 = arith.mulf %get3A_306, %mul3A_308 : vector<16xf32>
        %swap3A_310 = arith.index_cast %scan3A_210 : i32 to index
        %swap3A_311 = arith.constant 112 : index
        %swap3A_312 = tpu.vector_load %arg10[%swap3A_310, %swap3A_311] {strides = array<i32>} : memref<128x128xf32, #tpu.memory_space<vmem>>, vector<16xf32>,
        tpu.vector_store %arg10[%swap3A_310, %swap3A_311], %mul3A_309 {strides = array<i32>} : memref<128x128xf32, #tpu.memory_space<vmem>>, vector<16xf32>,
      }
      %scan3A_199 = arith.constant 128 : i32
      %add3A_200 = arith.constant 2 : i32
      %add3A_201 = arith.addi %add3A_153, %add3A_200 : i32
      %lt3A_202 = arith.constant 50 : i32
      %lt3A_203 = arith.cmpi slt, %add3A_201, %lt3A_202 : i32
      %convert_element_type3A_204 = arith.extui %lt3A_203 : i1 to i32
      %cond3A_205 = arith.constant 0 : i32
      %cond3A_206 = arith.cmpi ne, %convert_element_type3A_204, %cond3A_205 : i32
      scf.if %cond3A_206 {
        %add3A_210 = arith.constant 2 : i32
        %add3A_211 = arith.addi %add3A_153, %add3A_210 : i32
        %mul3A_212 = arith.constant 4 : i32
        %mul3A_213 = arith.muli %add3A_211, %mul3A_212 : i32
        %add3A_214 = arith.addi %mul3A_2, %mul3A_213 : i32
        "tpu.region"() ({
          %run_scoped3A = tpu.sem_alloc : memref<!tpu.dma_semaphore, #tpu.memory_space<semaphore_mem>>
          %dma_start3A_255 = arith.constant 0 : i32
          %dma_start3A_256 = tpu.memref_slice %arg2[%add3A_214, %dma_start3A_255] : memref<6400x128xi32, #tpu.memory_space<hbm>> -> memref<4x128xi32, #tpu.memory_space<hbm>>
          %dma_start3A_257 = arith.constant 0 : i32
          %dma_start3A_258 = tpu.memref_slice %arg2[%add3A_214, %dma_start3A_257] : memref<6400x128xi32, #tpu.memory_space<hbm>> -> memref<4x128xi32, #tpu.memory_space<hbm>>
          tpu.enqueue_dma source(%dma_start3A_258 : memref<4x128xi32, #tpu.memory_space<hbm>>) target(%arg6 : memref<4x128xi32, #tpu.memory_space<vmem>>) target_semaphore(%run_scoped3A : memref<!tpu.dma_semaphore, #tpu.memory_space<semaphore_mem>>)
          %dma_wait3A_259 = arith.constant 0 : i32
          %dma_wait3A_260 = tpu.memref_slice %arg2[%add3A_214, %dma_wait3A_259] : memref<6400x128xi32, #tpu.memory_space<hbm>> -> memref<4x128xi32, #tpu.memory_space<hbm>>
          %dma_wait3A_261 = arith.constant 0 : i32
          %dma_wait3A_262 = tpu.memref_slice %arg2[%add3A_214, %dma_wait3A_261] : memref<6400x128xi32, #tpu.memory_space<hbm>> -> memref<4x128xi32, #tpu.memory_space<hbm>>
          tpu.wait_dma2 semaphore(%run_scoped3A : memref<!tpu.dma_semaphore, #tpu.memory_space<semaphore_mem>>) src(%dma_wait3A_262 : memref<4x128xi32, #tpu.memory_space<hbm>>) dst(%arg6 : memref<4x128xi32, #tpu.memory_space<vmem>>)
          tpu.yield
        }) : () -> ()
        %dma_start3A_215 = arith.constant 0 : i32
        %dma_start3A_216 = arith.constant 0 : i32
        %dma_start3A_217 = arith.constant 0 : i32
        %dma_start3A_218 = tpu.memref_slice %arg8[%dma_start3A_216, %dma_start3A_217] : memref<512x32xf32, #tpu.memory_space<vmem>> -> memref<128x32xf32, #tpu.memory_space<vmem>>
        %dma_start3A_219 = arith.constant 0 : i32
        %dma_start3A_220 = tpu.memref_slice %arg6[%dma_start3A_215, %dma_start3A_219] : memref<4x128xi32, #tpu.memory_space<vmem>> -> memref<1x128xi32, #tpu.memory_space<vmem>>
        %dma_start3A_221 = tpu.memref_squeeze %dma_start3A_220 : memref<1x128xi32, #tpu.memory_space<vmem>> -> memref<128xi32, #tpu.memory_space<vmem>>
        %dma_start3A_222 = arith.constant 0 : i32
        %dma_start3A_223 = arith.constant 0 : i32
        %dma_start3A_224 = tpu.memref_slice %arg3[%dma_start3A_222, %dma_start3A_223] : memref<1000000x32xf32, #tpu.memory_space<hbm>> -> memref<1000000x32xf32, #tpu.memory_space<hbm>>
        tpu.enqueue_indirect_dma source(%dma_start3A_224 : memref<1000000x32xf32, #tpu.memory_space<hbm>>) target(%dma_start3A_218 : memref<128x32xf32, #tpu.memory_space<vmem>>) offsets(%dma_start3A_221 : memref<128xi32, #tpu.memory_space<vmem>>) semaphore(%arg12 : memref<!tpu.dma_semaphore, #tpu.memory_space<semaphore_mem>>)
        %dma_start3A_225 = arith.constant 1 : i32
        %dma_start3A_226 = arith.constant 128 : i32
        %dma_start3A_227 = arith.constant 0 : i32
        %dma_start3A_228 = tpu.memref_slice %arg8[%dma_start3A_226, %dma_start3A_227] : memref<512x32xf32, #tpu.memory_space<vmem>> -> memref<128x32xf32, #tpu.memory_space<vmem>>
        %dma_start3A_229 = arith.constant 0 : i32
        %dma_start3A_230 = tpu.memref_slice %arg6[%dma_start3A_225, %dma_start3A_229] : memref<4x128xi32, #tpu.memory_space<vmem>> -> memref<1x128xi32, #tpu.memory_space<vmem>>
        %dma_start3A_231 = tpu.memref_squeeze %dma_start3A_230 : memref<1x128xi32, #tpu.memory_space<vmem>> -> memref<128xi32, #tpu.memory_space<vmem>>
        %dma_start3A_232 = arith.constant 0 : i32
        %dma_start3A_233 = arith.constant 0 : i32
        %dma_start3A_234 = tpu.memref_slice %arg3[%dma_start3A_232, %dma_start3A_233] : memref<1000000x32xf32, #tpu.memory_space<hbm>> -> memref<1000000x32xf32, #tpu.memory_space<hbm>>
        tpu.enqueue_indirect_dma source(%dma_start3A_234 : memref<1000000x32xf32, #tpu.memory_space<hbm>>) target(%dma_start3A_228 : memref<128x32xf32, #tpu.memory_space<vmem>>) offsets(%dma_start3A_231 : memref<128xi32, #tpu.memory_space<vmem>>) semaphore(%arg12 : memref<!tpu.dma_semaphore, #tpu.memory_space<semaphore_mem>>)
        %dma_start3A_235 = arith.constant 2 : i32
        %dma_start3A_236 = arith.constant 256 : i32
        %dma_start3A_237 = arith.constant 0 : i32
        %dma_start3A_238 = tpu.memref_slice %arg8[%dma_start3A_236, %dma_start3A_237] : memref<512x32xf32, #tpu.memory_space<vmem>> -> memref<128x32xf32, #tpu.memory_space<vmem>>
        %dma_start3A_239 = arith.constant 0 : i32
        %dma_start3A_240 = tpu.memref_slice %arg6[%dma_start3A_235, %dma_start3A_239] : memref<4x128xi32, #tpu.memory_space<vmem>> -> memref<1x128xi32, #tpu.memory_space<vmem>>
        %dma_start3A_241 = tpu.memref_squeeze %dma_start3A_240 : memref<1x128xi32, #tpu.memory_space<vmem>> -> memref<128xi32, #tpu.memory_space<vmem>>
        %dma_start3A_242 = arith.constant 0 : i32
        %dma_start3A_243 = arith.constant 0 : i32
        %dma_start3A_244 = tpu.memref_slice %arg3[%dma_start3A_242, %dma_start3A_243] : memref<1000000x32xf32, #tpu.memory_space<hbm>> -> memref<1000000x32xf32, #tpu.memory_space<hbm>>
        tpu.enqueue_indirect_dma source(%dma_start3A_244 : memref<1000000x32xf32, #tpu.memory_space<hbm>>) target(%dma_start3A_238 : memref<128x32xf32, #tpu.memory_space<vmem>>) offsets(%dma_start3A_241 : memref<128xi32, #tpu.memory_space<vmem>>) semaphore(%arg12 : memref<!tpu.dma_semaphore, #tpu.memory_space<semaphore_mem>>)
        %dma_start3A_245 = arith.constant 3 : i32
        %dma_start3A_246 = arith.constant 384 : i32
        %dma_start3A_247 = arith.constant 0 : i32
        %dma_start3A_248 = tpu.memref_slice %arg8[%dma_start3A_246, %dma_start3A_247] : memref<512x32xf32, #tpu.memory_space<vmem>> -> memref<128x32xf32, #tpu.memory_space<vmem>>
        %dma_start3A_249 = arith.constant 0 : i32
        %dma_start3A_250 = tpu.memref_slice %arg6[%dma_start3A_245, %dma_start3A_249] : memref<4x128xi32, #tpu.memory_space<vmem>> -> memref<1x128xi32, #tpu.memory_space<vmem>>
        %dma_start3A_251 = tpu.memref_squeeze %dma_start3A_250 : memref<1x128xi32, #tpu.memory_space<vmem>> -> memref<128xi32, #tpu.memory_space<vmem>>
        %dma_start3A_252 = arith.constant 0 : i32
        %dma_start3A_253 = arith.constant 0 : i32
        %dma_start3A_254 = tpu.memref_slice %arg3[%dma_start3A_252, %dma_start3A_253] : memref<1000000x32xf32, #tpu.memory_space<hbm>> -> memref<1000000x32xf32, #tpu.memory_space<hbm>>
        tpu.enqueue_indirect_dma source(%dma_start3A_254 : memref<1000000x32xf32, #tpu.memory_space<hbm>>) target(%dma_start3A_248 : memref<128x32xf32, #tpu.memory_space<vmem>>) offsets(%dma_start3A_251 : memref<128xi32, #tpu.memory_space<vmem>>) semaphore(%arg12 : memref<!tpu.dma_semaphore, #tpu.memory_space<semaphore_mem>>)
      } else {
      }
      %mul3A_207 = arith.constant 128 : i32
      %mul3A_208 = arith.muli %add3A_153, %mul3A_207 : i32
      %add3A_209 = arith.addi %mul3A_4, %mul3A_208 : i32
      "tpu.region"() ({
        %run_scoped3A = tpu.sem_alloc : memref<!tpu.dma_semaphore, #tpu.memory_space<semaphore_mem>>
        %dma_start3A_210 = arith.constant 0 : i32
        %dma_start3A_211 = tpu.memref_slice %arg4[%add3A_209, %dma_start3A_210] : memref<204800x128xf32, #tpu.memory_space<hbm>> -> memref<128x128xf32, #tpu.memory_space<hbm>>
        %dma_start3A_212 = arith.constant 0 : i32
        %dma_start3A_213 = tpu.memref_slice %arg4[%add3A_209, %dma_start3A_212] : memref<204800x128xf32, #tpu.memory_space<hbm>> -> memref<128x128xf32, #tpu.memory_space<hbm>>
        tpu.enqueue_dma source(%arg10 : memref<128x128xf32, #tpu.memory_space<vmem>>) target(%dma_start3A_213 : memref<128x128xf32, #tpu.memory_space<hbm>>) target_semaphore(%run_scoped3A : memref<!tpu.dma_semaphore, #tpu.memory_space<semaphore_mem>>)
        %dma_wait3A_214 = arith.constant 0 : i32
        %dma_wait3A_215 = tpu.memref_slice %arg4[%add3A_209, %dma_wait3A_214] : memref<204800x128xf32, #tpu.memory_space<hbm>> -> memref<128x128xf32, #tpu.memory_space<hbm>>
        %dma_wait3A_216 = arith.constant 0 : i32
        %dma_wait3A_217 = tpu.memref_slice %arg4[%add3A_209, %dma_wait3A_216] : memref<204800x128xf32, #tpu.memory_space<hbm>> -> memref<128x128xf32, #tpu.memory_space<hbm>>
        tpu.wait_dma2 semaphore(%run_scoped3A : memref<!tpu.dma_semaphore, #tpu.memory_space<semaphore_mem>>) src(%arg10 : memref<128x128xf32, #tpu.memory_space<vmem>>) dst(%dma_wait3A_217 : memref<128x128xf32, #tpu.memory_space<hbm>>)
        tpu.yield
      }) : () -> ()
    }
    %scan3A_92 = arith.constant 25 : i32
    return
  }
}

</mosaic_0001>

<sc_bundles>
// kernel: kernel.3.cloned.1.call-start
scs
__scs_entry_jumppad:
0x0: {  	(pc) =	sbr.rel $0x88, $3  }
0x1: {  	(tag) =	ssettag $0x0;
	lr =	simm.s32 $0x1  }
0x2: {  	[smem:$0x3F9F] =	sst lr;
	_ =	strace $0xD0000000  }
0x3: {  	_ = 	snop  }
0x4: {  	_ = 	snop  }
0x5: {  	_ = 	snop  }
0x6: {  	_ = 	snop  }
0x7: {  	_ = 	snop  }
__scs_overlays_trampoline_lowered:
0x8: {  	[smem:$0x3FAE] =	sst s0  }
0x9: {  	[smem:$0x3FAF] =	sst s1  }
0xa: {  	[smem:$0x3FB0] =	sst s2  }
0xb: {  	[smem:$0x3FB1] =	sst s3  }
0xc: {  	[smem:$0x3FB2] =	sst s4  }
0xd: {  	[smem:$0x3FB3] =	sst s5  }
0xe: {  	[smem:$0x3FB4] =	sst s6  }
0xf: {  	[smem:$0x3FB5] =	sst s7  }
0x10: {  	[smem:$0x3FB6] =	sst s8  }
0x11: {  	[smem:$0x3FB7] =	sst s9;
	s0 =	simm.s32 @!p0 $0x0  }
0x12: {  	s1 =	sld [smem:$0x3F9D];
	s0 =	simm.s32 @p0 $0x1  }
0x13: {  	[smem:$0x3FB8] =	sst s0;
	s0 =	simm.s32 @!p1 $0x0  }
0x14: {  	s2 =	sld [smem:$0x3F9C];
	s0 =	simm.s32 @p1 $0x1  }
0x15: {  	[smem:$0x3FB9] =	sst s0;
	s0 =	simm.s32 @!p2 $0x0  }
0x16: {  	s3 =	sld [smem:$0x3FDB];
	s0 =	simm.s32 @p2 $0x1  }
0x17: {  	s4 =	simm.s32 $0x1BF5;
	[smem:$0x3FBB] =	sst s0  }
0x18: {  	s0 =	sld [smem:$0x3F9E];
	_ =	swait.ge [sflag:s4], $0x0  }
0x19: {  	s7 =	sld [smem:$0x3F9F]  }
0x1a: {  	s8 =	sadd.s32 $0xFFFFE003, lr  }
0x1b: {  	s9 =	sadd.s32 $0xFFFFFEF7, lr;
	s5 =	simm.s32 $0xFFFFFFFF;
	p2 =	slt.u32 s8, $0xFFFFF086  }
0x1c: {  	p1 =	slt.u32 s9, $0xF7A;
	s5 =	simm.s32 @!p2 $0x0  }
0x1d: {  	s5 =	simm.s32 @p1 $0x1;
	p0 =	seq.s32 s7, s2  }
0x1e: {  	s7 =	smul.u32 @!p0 $0xF7A, s2;
	p2 =	seq.s32 @!p0 s5, $0x0  }
0x1f: {  	s9 =	smul.u32 $0xF7A, s1;
	s8 =	simm.s32 @!p0 $0x1BF5;
	p2 =	por !p2, p0  }
0x20: {  	[sflag:s8] =	ssyncset.s32 @!p0 $0xFFFFF086;
	s6 =	sadd.s32 @!p0 s3, s7;
	s7 =	simm.s32 @!p0 $0x108  }
0x21: {  	s3 =	sadd.s32 s3, s9;
	s6 =	sadd.s32 @!p0 $0x88, s6;
	s7 =	simm.s32 @p2 $0x1082  }
0x22: {  	[simem:s7], [sflag:s8] =	dma.local @!p0 [hbm:s6], $0xF7A  }
0x23: {  	s9 =	sor.u32 $0xD0000000, s2;
	s6 =	simm.s32 $0x108;
	_ =	swait.ge @!p0 [sflag:s8], $0x0  }
0x24: {  	s3 =	sadd.s32 $0x88, s3;
	s6 =	simm.s32 @!p1 $0x1082;
	[sflag:s4] =	ssyncset.s32 $0xFFFFF086  }
0x25: {  	[simem:s6], [sflag:s4] =	dma.local [hbm:s3], $0xF7A  }
0x26: {  	[smem:$0x3F9F] =	sst s1;
	(tag) =	ssettag s2;
	_ =	strace s9  }
0x27: {  	s1 =	sld [smem:$0x3FAF]  }
0x28: {  	s2 =	sld [smem:$0x3FB0]  }
0x29: {  	s4 =	sld [smem:$0x3FB2]  }
0x2a: {  	p0 =	seq.s32 s5, $0x0;
	s5 =	sld [smem:$0x3FB3]  }
0x2b: {  	s6 =	sld [smem:$0x3FB4]  }
0x2c: {  	s7 =	sld [smem:$0x3FB5]  }
0x2d: {  	s3 =	simm.s32 $0x108;
	s8 =	sld [smem:$0x3FB6]  }
0x2e: {  	s3 =	simm.s32 @!p0 $0x1082;
	s9 =	sld [smem:$0x3FB7]  }
0x2f: {  	lr =	sadd.s32 s0, s3;
	s0 =	sld [smem:$0x3FAE]  }
0x30: {  	s3 =	sld [smem:$0x3FB1]  }
0x31: {  	[smem:$0x3FBA] =	sst s10  }
0x32: {  	s10 =	sld [smem:$0x3FB8];
	_ =	sdelay $0x3  }
0x33: {  	p0 =	seq.s32 s10, $0x1;
	s10 =	sld [smem:$0x3FBA];
	_ =	sdelay $0x3  }
0x34: {  	[smem:$0x3FBA] =	sst s10  }
0x35: {  	s10 =	sld [smem:$0x3FB9];
	_ =	sdelay $0x3  }
0x36: {  	p1 =	seq.s32 s10, $0x1;
	s10 =	sld [smem:$0x3FBA];
	_ =	sdelay $0x3  }
0x37: {  	[smem:$0x3FBA] =	sst s10  }
0x38: {  	s10 =	sld [smem:$0x3FBB]  }
0x39: {  	_ = 	snop;
	(pc) =	sbr.ind lr, $3  }
0x3a: {  	_ = 	snop  }
0x3b: {  	_ = 	snop  }
0x3c: {  	p2 =	seq.s32 s10, $0x1;
	s10 =	sld [smem:$0x3FBA]  }
0x3d: {  	_ =	shalt  }
0x3e: {  	_ =	shalt  }
0x3f: {  	_ =	shalt  }
0x40: {  	_ =	shalt  }
0x41: {  	_ =	shalt  }
0x42: {  	_ =	shalt  }
0x43: {  	_ =	shalt  }
0x44: {  	_ =	shalt  }
0x45: {  	_ =	shalt  }
0x46: {  	_ =	shalt  }
0x47: {  	_ =	shalt  }
0x48: {  	_ =	shalt  }
0x49: {  	_ =	shalt  }
0x4a: {  	_ =	shalt  }
0x4b: {  	_ =	shalt  }
0x4c: {  	_ =	shalt  }
0x4d: {  	_ =	shalt  }
0x4e: {  	_ =	shalt  }
0x4f: {  	_ =	shalt  }
0x50: {  	_ =	shalt  }
0x51: {  	_ =	shalt  }
0x52: {  	_ =	shalt  }
0x53: {  	_ =	shalt  }
0x54: {  	_ =	shalt  }
0x55: {  	_ =	shalt  }
0x56: {  	_ =	shalt  }
0x57: {  	_ =	shalt  }
0x58: {  	_ =	shalt  }
0x59: {  	_ =	shalt  }
0x5a: {  	_ =	shalt  }
0x5b: {  	_ =	shalt  }
0x5c: {  	_ =	shalt  }
0x5d: {  	_ =	shalt  }
0x5e: {  	_ =	shalt  }
0x5f: {  	_ =	shalt  }
0x60: {  	_ =	shalt  }
0x61: {  	_ =	shalt  }
0x62: {  	_ =	shalt  }
0x63: {  	_ =	shalt  }
0x64: {  	_ =	shalt  }
0x65: {  	_ =	shalt  }
0x66: {  	_ =	shalt  }
0x67: {  	_ =	shalt  }
0x68: {  	_ =	shalt  }
0x69: {  	_ =	shalt  }
0x6a: {  	_ =	shalt  }
0x6b: {  	_ =	shalt  }
0x6c: {  	_ =	shalt  }
0x6d: {  	_ =	shalt  }
0x6e: {  	_ =	shalt  }
0x6f: {  	_ =	shalt  }
0x70: {  	_ =	shalt  }
0x71: {  	_ =	shalt  }
0x72: {  	_ =	shalt  }
0x73: {  	_ =	shalt  }
0x74: {  	_ =	shalt  }
0x75: {  	_ =	shalt  }
0x76: {  	_ =	shalt  }
0x77: {  	_ =	shalt  }
0x78: {  	_ =	shalt  }
0x79: {  	_ =	shalt  }
0x7a: {  	_ =	shalt  }
0x7b: {  	_ =	shalt  }
0x7c: {  	_ =	shalt  }
0x7d: {  	_ =	shalt  }
0x7e: {  	_ =	shalt  }
0x7f: {  	_ =	shalt  }
0x80: {  	_ =	shalt  }
0x81: {  	_ =	shalt  }
0x82: {  	_ =	shalt  }
0x83: {  	_ =	shalt  }
0x84: {  	_ =	shalt  }
0x85: {  	_ =	shalt  }
0x86: {  	_ =	shalt  }
0x87: {  	_ =	shalt  }
.Lfunc_end0:
.L_simem_size_0:
called_computation.1_lowered:
.L_overlay_start_0:
0x88: {  	s2 =	sld [smem:$0x3FD9]  }
0x89: {  	s3 =	sld [smem:$0x3FFE];
	_ =	sdelay $0x1  }
0x8a: {  	s1 =	srdreg.scid  }
0x8b: {  	s0 =	sand.u32 $0x1, s1  }
0x8c: {  	s17 =	sshll.u32 s0, $0xA;
	s2 =	sadd.s32 s3, s2  }
0x8d: {  	s2 =	sadd.s32 s2, s17  }
0x8e: {  	[smem:$0x3FC6] =	sst s2  }
0x8f: {  	_ = 	snop  }
0x90: {  	s2 =	sld [smem:$0x3FD0];
	(tm) =	ssettm $0x1  }
0x91: {  	s18 =	sld [smem:$0x3FFB];
	_ =	sdelay $0x3  }
0x92: {  	_ =	strace s18  }
0x93: {  	s3 =	sld [smem:$0x3FFC];
	_ =	sdelay $0x3  }
0x94: {  	_ =	strace s3  }
0x95: {  	s3 =	sld [smem:$0x3FFD];
	_ =	sdelay $0x3  }
0x96: {  	_ =	strace s3  }
0x97: {  	_ =	strace $0x8FFFFFFF  }
0x98: {  	s19 =	sld [smem:$0x3FDB];
	_ =	sdelay $0x1  }
0x99: {  	s4 =	simm.s32 $_scs_section_size  }
0x9a: {  	s5 =	simm.s32 $_size__tile_overlayer_lowered;
	s6 =	simm.s32 $_tile_overlayer_lowered  }
0x9b: {  	s22 =	simm.s32 $0x1BFF;
	s21 =	sshll.u32 s6, $0x1;
	s3 =	sadd.s32 s4, s19  }
0x9c: {  	s7 =	simm.s32 $0x0;
	s20 =	sshll.u32 s5, $0x1;
	s5 =	sadd.s32 s21, s3  }
0x9d: {  	[timem:s7], [sflag:s22] =	dma.local [hbm:s5], s20  }
0x9e: {  	_ =	swait.ge [sflag:s22], s20  }
0x9f: {  	s4 =	ssub.s32 $0x0, s20;
	[sflag:s22] =	ssyncset.done $0x0  }
0xa0: {  	[sflag:s22] =	ssyncadd.s32 s4;
	_ =	sdelay $0x1  }
0xa1: {  	s23 =	simm.s32 $0x1B8B  }
0xa2: {  	_ =	swait.ge [sflag:s23], $0x1  }
0xa3: {  	[sflag:s23] =	ssyncset.done $0x0  }
0xa4: {  	s25 =	simm.s32 $0x1B8E;
	s24 =	sld [smem:$0x3FFE];
	[sflag:s23] =	ssyncadd.s32 $0xFFFFFFFF  }
0xa5: {  	s26 =	simm.s32 $execute0_lowered;
	[smem:$0x3FD2] =	sst s25  }
0xa6: {  	s5 =	sshll.u32 s26, $0x1;
	_ =	strace $0x80000046;
	[dreg:$0x1] =	wrdreg $0xFFFFFFFF  }
0xa7: {  	s28 =	simm.s32 $_size_execute0_lowered;
	s3 =	sadd.s32 s3, s5;
	[dreg:$0x0] =	wrdreg $0x0  }
0xa8: {  	s5 =	sshll.u32 s28, $0x1;
	[dreg:$0x2] =	wrdreg s3  }
0xa9: {  	[dreg:$0x3] =	wrdreg s5  }
0xaa: {  	[dreg:$0x4] =	wrdreg $0xC0  }
0xab: {  	_ =	task [dreg:s7], $0x5FFFF  }
0xac: {  	[dreg:$0x1] =	wrdreg $0xFFFFFFFF  }
0xad: {  	[dreg:$0x0] =	wrdreg $0x60  }
0xae: {  	[dreg:$0x2] =	wrdreg s24  }
0xaf: {  	[dreg:$0x3] =	wrdreg s2  }
0xb0: {  	[dreg:$0x4] =	wrdreg $0x9  }
0xb1: {  	_ =	task.clear_ibuf [dreg:s7], $0x5FFFF;
	_ =	strace $0x90000046  }
0xb2: {  	s29 =	simm.s32 $0x9;
	_ =	strace $0x80000048  }
0xb3: {  	_ =	swait.ge [sflag:s29], $0x1  }
0xb4: {  	[sflag:s29] =	ssyncadd.s32 $0xFFFFFFFF  }
0xb5: {  	_ =	strace $0x90000048  }
0xb6: {  	_ =	sfence  }
0xb7: {  	s30 =	sld [smem:$0x0];
	_ =	sdelay $0x2  }
0xb8: {  	s31 =	sshll.u32 s1, $0xD;
	s1 =	sshrl.u32 s1, $0x2  }
0xb9: {  	s3 =	sand.u32 $0x4000, s31;
	s1 =	sadd.s32 s1, s30  }
0xba: {  	s0 =	sor.u32 s3, s0;
	s1 =	sshll.u32 s1, $0x11  }
0xbb: {  	s0 =	sor.u32 s1, s0  }
0xbc: {  	s0 =	sadd.s32 $0x8F2B, s0  }
0xbd: {  	[sflag:s0] =	ssyncadd.remote.s32 $0x1  }
0xbe: {  	_ =	sfence.sel $0xFFFF  }
0xbf: {  	[dreg:$0x0] =	wrdreg $0xFFFFFFFF;
	(pc) =	sbr.abs _section_cstart, $3  }
0xc0: {  	[dreg:$0x1] =	wrdreg $0xFFFFFFFF  }
0xc1: {  	_ =	task.clear_ibuf [dreg:s7], $0x2FFFF;
	_ =	strace $0x9FFFFFFF  }
0xc2: {  	(tm) =	ssettm $0x7FFFFFFF  }
0xc3: {  	_ =	shalt  }
tec
execute0_lowered:
.L_overlay_start_1:
0x0: {  	(tag) =	ssettag $0x1  }
0x1: {  	s0 =	rddreg [dreg:$0x0]  }
0x2: {  	s2 =	rddreg [dreg:$0x1]  }
0x3: {  	s1 =	srdreg.scid;
	s4 =	stileid.u32;
	s3 =	simm.s32 $0x0  }
0x4: {  	s13 =	simm.s32 $0x3;
	s14 =	simm.s32 $0x80;
	s21 =	simm.s32 $0x200  }
0x5: {  	s22 =	simm.s32 $0x4400;
	s23 =	simm.s32 $0x280;
	s24 =	simm.s32 $0x5400  }
0x6: {  	s28 =	simm.s32 $0x380;
	s29 =	simm.s32 $0x7400;
	s30 =	simm.s32 $0x1  }
0x7: {  	s31 =	simm.s32 $0x8400;
	s1 =	sand.u32 $0x1, s1;
	s4 =	sshll.u32 s4, $0x1  }
0x8: {  	[smem:$0x7FF] =	sst s3;
	s6 =	sadd.s32 $0xF42E00, s0;
	s9 =	sor.u32 s1, s4  }
0x9: {  	s15 =	simm.s32 $0x0;
	_ =	strace $0x80000047;
	s5 =	smul.u32 $0xC80, s9  }
0xa: {  	s4 =	sadd.s32 $0xA00, s0;
	s1 =	ssub.s32 $0x2, s1;
	s10 =	smul.u32 $0x6400, s9  }
0xb: {  	s0 =	simm.s32 $0x2;
	s7 =	sshrl.u32 s1, $0x1;
	s11 =	smul.u32 $0x19000, s9  }
0xc: {  	s9 =	smul.u32 $0xC8000, s9;
	s25 =	ssub.s32 s1, s7;
	s1 =	simm.s32 $0xC400  }
0xd: {  	s5 =	sadd.s32 s4, s5;
	s8 =	sadd.s32 $0x400, s10;
	s26 =	sadd.s32 s11, s2  }
0xe: {  	s10 =	sadd.s32 $0x600, s10;
	s11 =	smax.u32 s25, $0x1;
	s25 =	simm.s32 $0x300  }
0xf: {  	s7 =	sadd.s32 $0x40, s5;
	s12 =	sadd.s32 $0x800, s26;
	s26 =	simm.s32 $0x6400  }
.LBB2_1:
0x10: {  	[tilespmem:s3], [sflag:$0x3] =	stream.linear.gather [hbm4b:s5+s3], $0x200, $0x38;
	[tilespmem:$0x10400] =	vst v63  }
0x11: {  	_ =	swait.ge [sflag:s13], $0x200  }
0x12: {  	[sflag:s13] =	ssyncset.done $0x0  }
0x13: {  	s16 =	simm.s32 $0x400;
	[sflag:s13] =	ssyncadd.s32 $0xFFFFFE00  }
0x14: {  	[tilespmem:s16], [sflag:$0x1] =	stream.indirect.gather [hbm4b:s6+s14], $0x20, s3, s14, $0xb8;
	[tilespmem:$0x10400] =	vst v63  }
0x15: {  	s17 =	simm.s32 $0x1400  }
0x16: {  	[tilespmem:s17], [sflag:$0x1] =	stream.indirect.gather [hbm4b:s6+s14], $0x20, s14, s14, $0xb8;
	[tilespmem:$0x10400] =	vst v63  }
0x17: {  	s18 =	simm.s32 $0x100;
	s17 =	simm.s32 $0x2400  }
0x18: {  	[tilespmem:s17], [sflag:$0x1] =	stream.indirect.gather [hbm4b:s6+s14], $0x20, s18, s14, $0xb8;
	[tilespmem:$0x10400] =	vst v63  }
0x19: {  	s19 =	simm.s32 $0x180;
	s20 =	simm.s32 $0x3400  }
0x1a: {  	[tilespmem:s20], [sflag:$0x1] =	stream.indirect.gather [hbm4b:s6+s14], $0x20, s19, s14, $0xb8;
	[tilespmem:$0x10400] =	vst v63  }
0x1b: {  	_ = 	snop  }
0x1c: {  	[tilespmem:s21], [sflag:$0x3] =	stream.linear.gather [hbm4b:s7+s3], $0x200, $0x38;
	[tilespmem:$0x10400] =	vst v63  }
0x1d: {  	_ =	swait.ge [sflag:s13], $0x200  }
0x1e: {  	[sflag:s13] =	ssyncset.done $0x0  }
0x1f: {  	[sflag:s13] =	ssyncadd.s32 $0xFFFFFE00  }
0x20: {  	[tilespmem:s22], [sflag:$0x2] =	stream.indirect.gather [hbm4b:s6+s14], $0x20, s21, s14, $0xb8;
	[tilespmem:$0x10400] =	vst v63  }
0x21: {  	_ = 	snop  }
0x22: {  	[tilespmem:s24], [sflag:$0x2] =	stream.indirect.gather [hbm4b:s6+s14], $0x20, s23, s14, $0xb8;
	[tilespmem:$0x10400] =	vst v63  }
0x23: {  	_ = 	snop  }
0x24: {  	[tilespmem:s26], [sflag:$0x2] =	stream.indirect.gather [hbm4b:s6+s14], $0x20, s25, s14, $0xb8;
	[tilespmem:$0x10400] =	vst v63  }
0x25: {  	s16 =	simm.s32 $0x0  }
0x26: {  	[tilespmem:s29], [sflag:$0x2] =	stream.indirect.gather [hbm4b:s6+s14], $0x20, s28, s14, $0xb8;
	[tilespmem:$0x10400] =	vst v63  }
.LBB2_2:
0x27: {  	_ =	swait.ge [sflag:s30], $0x1000  }
0x28: {  	[sflag:s30] =	ssyncset.done $0x0  }
0x29: {  	[sflag:s30] =	ssyncadd.s32 $0xFFFFF000  }
0x2a: {  	_ =	swait.ge [sflag:s30], $0x1000  }
0x2b: {  	[sflag:s30] =	ssyncset.done $0x0  }
0x2c: {  	[sflag:s30] =	ssyncadd.s32 $0xFFFFF000  }
0x2d: {  	_ =	swait.ge [sflag:s30], $0x1000  }
0x2e: {  	[sflag:s30] =	ssyncset.done $0x0  }
0x2f: {  	[sflag:s30] =	ssyncadd.s32 $0xFFFFF000  }
0x30: {  	_ =	swait.ge [sflag:s30], $0x1000  }
0x31: {  	[sflag:s30] =	ssyncset.done $0x0  }
0x32: {  	s17 =	simm.s32 $0x0;
	[sflag:s30] =	ssyncadd.s32 $0xFFFFF000  }
0x33: {  	v1 =	vld [tilespmem:s17+$0x470]  }
0x34: {  	v5 =	vld [tilespmem:s17+$0x400]  }
0x35: {  	v6 =	vld [tilespmem:s17+$0x410]  }
0x36: {  	v4 =	vld [tilespmem:s17+$0x420]  }
0x37: {  	v3 =	vld [tilespmem:s17+$0x430]  }
0x38: {  	v0 =	vld [tilespmem:s17+$0x440];
	v7 =	vmul.f32 $5.656854150e+00, v1  }
0x39: {  	v1 =	vld [tilespmem:s17+$0x450];
	v5 =	vmul.f32 $5.656854150e+00, v5  }
0x3a: {  	s18 =	simm.s32 $0x80;
	s19 =	simm.s32 $0x400;
	v2 =	vld [tilespmem:s17+$0x460];
	v6 =	vmul.f32 $5.656854150e+00, v6;
	[tilespmem:s17+$0x8470] =	vst v7  }
.LBB2_3:
0x3b: {  	p0 =	sne.s32 s19, $0xFE00;
	v7 =	vld [tilespmem:s18+$0x470];
	[tilespmem:s17+$0x8400] =	vst v5;
	v4 =	vmul.f32 $5.656854150e+00, v4  }
0x3c: {  	v5 =	vld [tilespmem:s18+$0x400];
	[tilespmem:s17+$0x8410] =	vst v6;
	v3 =	vmul.f32 $5.656854150e+00, v3  }
0x3d: {  	v6 =	vld [tilespmem:s18+$0x410];
	[tilespmem:s17+$0x8420] =	vst v4;
	v0 =	vmul.f32 $5.656854150e+00, v0  }
.Ltmp0:
0x3e: {  	v4 =	vld [tilespmem:s18+$0x420];
	[tilespmem:s17+$0x8430] =	vst v3;
	v1 =	vmul.f32 $5.656854150e+00, v1;
	(pc) =	sbr.rel @p0 .LBB2_3-.Ltmp0, $4  }
0x3f: {  	v3 =	vld [tilespmem:s18+$0x430];
	[tilespmem:s17+$0x8440] =	vst v0;
	v2 =	vmul.f32 $5.656854150e+00, v2  }
0x40: {  	v0 =	vld [tilespmem:s18+$0x440];
	v7 =	vmul.f32 $5.656854150e+00, v7;
	[tilespmem:s17+$0x8450] =	vst v1  }
0x41: {  	v5 =	vmul.f32 $5.656854150e+00, v5;
	v1 =	vld [tilespmem:s18+$0x450];
	[tilespmem:s17+$0x8460] =	vst v2;
	s17 =	smov.u32 s18  }
0x42: {  	s18 =	sshra.s32 s19, $0x2;
	s19 =	sadd.s32 $0x200, s19;
	v6 =	vmul.f32 $5.656854150e+00, v6;
	v2 =	vld [tilespmem:s17+$0x460];
	[tilespmem:s17+$0x8470] =	vst v7  }
0x43: {  	v7 =	vld [tilespmem:s18+$0x470];
	[tilespmem:s17+$0x8400] =	vst v5;
	v4 =	vmul.f32 $5.656854150e+00, v4  }
0x44: {  	v5 =	vld [tilespmem:s18+$0x400];
	[tilespmem:s17+$0x8410] =	vst v6;
	v3 =	vmul.f32 $5.656854150e+00, v3  }
0x45: {  	v6 =	vld [tilespmem:s18+$0x410];
	[tilespmem:s17+$0x8420] =	vst v4;
	v0 =	vmul.f32 $5.656854150e+00, v0  }
0x46: {  	v4 =	vld [tilespmem:s18+$0x420];
	[tilespmem:s17+$0x8430] =	vst v3;
	v1 =	vmul.f32 $5.656854150e+00, v1  }
0x47: {  	v3 =	vld [tilespmem:s18+$0x430];
	[tilespmem:s17+$0x8440] =	vst v0;
	v2 =	vmul.f32 $5.656854150e+00, v2  }
0x48: {  	v0 =	vld [tilespmem:s18+$0x440];
	[tilespmem:s17+$0x8450] =	vst v1;
	v7 =	vmul.f32 $5.656854150e+00, v7  }
0x49: {  	v1 =	vld [tilespmem:s18+$0x450];
	[tilespmem:s17+$0x8460] =	vst v2;
	v2 =	vmul.f32 $5.656854150e+00, v5  }
0x4a: {  	v5 =	vld [tilespmem:s18+$0x460];
	v6 =	vmul.f32 $5.656854150e+00, v6;
	[tilespmem:s18+$0x8470] =	vst v7  }
0x4b: {  	[tilespmem:s18+$0x8400] =	vst v2;
	v2 =	vmul.f32 $5.656854150e+00, v4  }
0x4c: {  	[tilespmem:s18+$0x8410] =	vst v6;
	v3 =	vmul.f32 $5.656854150e+00, v3  }
0x4d: {  	[tilespmem:s18+$0x8420] =	vst v2;
	v0 =	vmul.f32 $5.656854150e+00, v0  }
0x4e: {  	p0 =	seq.s32 s16, $0x18;
	s17 =	sshll.u32 s16, $0xA;
	[tilespmem:s18+$0x8430] =	vst v3;
	v1 =	vmul.f32 $5.656854150e+00, v1  }
0x4f: {  	s19 =	sadd.s32 @!p0 s17, s8;
	[tilespmem:s18+$0x8440] =	vst v0;
	v0 =	vmul.f32 $5.656854150e+00, v5  }
0x50: {  	s19 =	sshrl.u32 @!p0 s19, $0x3;
	[tilespmem:s18+$0x8450] =	vst v1  }
0x51: {  	[tilespmem:s18+$0x8460] =	vst v0;
	s18 =	sadd.s32 @!p0 s4, s19;
	s19 =	simm.s32 @!p0 $0x0  }
0x52: {  	[tilespmem:s19], [sflag:$0x3] =	stream.linear.gather @!p0 [hbm4b:s18+s19], $0x200, $0x38;
	[tilespmem:$0x10400] =	vst v63  }
0x53: {  	s18 =	simm.s32 @!p0 $0x3  }
0x54: {  	_ =	swait.ge @!p0 [sflag:s18], $0x200  }
0x55: {  	[sflag:s18] =	ssyncset.done @!p0 $0x0  }
0x56: {  	s20 =	simm.s32 @!p0 $0x400;
	[sflag:s18] =	ssyncadd.s32 @!p0 $0xFFFFFE00;
	s18 =	simm.s32 @!p0 $0x80  }
0x57: {  	[tilespmem:s20], [sflag:$0x1] =	stream.indirect.gather @!p0 [hbm4b:s6+s18], $0x20, s19, s18, $0xb8;
	[tilespmem:$0x10400] =	vst v63  }
0x58: {  	s19 =	simm.s32 @!p0 $0x1400  }
0x59: {  	[tilespmem:s19], [sflag:$0x1] =	stream.indirect.gather @!p0 [hbm4b:s6+s18], $0x20, s18, s18, $0xb8;
	[tilespmem:$0x10400] =	vst v63  }
0x5a: {  	s20 =	simm.s32 @!p0 $0x2400;
	s19 =	simm.s32 @!p0 $0x100  }
0x5b: {  	[tilespmem:s20], [sflag:$0x1] =	stream.indirect.gather @!p0 [hbm4b:s6+s18], $0x20, s19, s18, $0xb8;
	[tilespmem:$0x10400] =	vst v63  }
0x5c: {  	s19 =	simm.s32 @!p0 $0x180;
	s20 =	simm.s32 @!p0 $0x3400  }
0x5d: {  	[tilespmem:s20], [sflag:$0x1] =	stream.indirect.gather @!p0 [hbm4b:s6+s18], $0x20, s19, s18, $0xb8;
	[tilespmem:$0x10400] =	vst v63  }
0x5e: {  	s19 =	sshll.u32 s16, $0xF  }
0x5f: {  	s18 =	sadd.s32 s9, s19  }
0x60: {  	s18 =	sshrl.u32 s18, $0x3  }
0x61: {  	s20 =	simm.s32 $0x0;
	s18 =	sadd.s32 s2, s18  }
0x62: {  	[hbm4b:s18+s20] =	stream.linear.scatter [tilespmem:s31], [sflag:$0x3], $0x4000, $0x38;
	[tilespmem:$0x10400] =	vst v63  }
0x63: {  	_ =	swait.ge [sflag:s13], $0x4000  }
0x64: {  	[sflag:s13] =	ssyncset.done $0x0  }
0x65: {  	[sflag:s13] =	ssyncadd.s32 $0xFFFFC000  }
0x66: {  	_ =	swait.ge [sflag:s0], $0x1000  }
0x67: {  	[sflag:s0] =	ssyncset.done $0x0  }
0x68: {  	[sflag:s0] =	ssyncadd.s32 $0xFFFFF000  }
0x69: {  	_ =	swait.ge [sflag:s0], $0x1000  }
0x6a: {  	[sflag:s0] =	ssyncset.done $0x0  }
0x6b: {  	[sflag:s0] =	ssyncadd.s32 $0xFFFFF000  }
0x6c: {  	_ =	swait.ge [sflag:s0], $0x1000  }
0x6d: {  	[sflag:s0] =	ssyncset.done $0x0  }
0x6e: {  	[sflag:s0] =	ssyncadd.s32 $0xFFFFF000  }
0x6f: {  	_ =	swait.ge [sflag:s0], $0x1000  }
0x70: {  	[sflag:s0] =	ssyncset.done $0x0  }
0x71: {  	s19 =	simm.s32 $0x0;
	[sflag:s0] =	ssyncadd.s32 $0xFFFFF000  }
0x72: {  	v1 =	vld [tilespmem:s19+$0x4470]  }
0x73: {  	v5 =	vld [tilespmem:s19+$0x4400]  }
0x74: {  	v6 =	vld [tilespmem:s19+$0x4410]  }
0x75: {  	v4 =	vld [tilespmem:s19+$0x4420]  }
0x76: {  	v3 =	vld [tilespmem:s19+$0x4430]  }
0x77: {  	v0 =	vld [tilespmem:s19+$0x4440];
	v7 =	vmul.f32 $5.656854150e+00, v1  }
0x78: {  	v1 =	vld [tilespmem:s19+$0x4450];
	v5 =	vmul.f32 $5.656854150e+00, v5  }
0x79: {  	s18 =	simm.s32 $0x80;
	s20 =	simm.s32 $0x400;
	v2 =	vld [tilespmem:s19+$0x4460];
	v6 =	vmul.f32 $5.656854150e+00, v6;
	[tilespmem:s19+$0xC470] =	vst v7  }
.LBB2_5:
0x7a: {  	p1 =	sne.s32 s20, $0xFE00;
	v7 =	vld [tilespmem:s18+$0x4470];
	[tilespmem:s19+$0xC400] =	vst v5;
	v4 =	vmul.f32 $5.656854150e+00, v4  }
0x7b: {  	v5 =	vld [tilespmem:s18+$0x4400];
	[tilespmem:s19+$0xC410] =	vst v6;
	v3 =	vmul.f32 $5.656854150e+00, v3  }
0x7c: {  	v6 =	vld [tilespmem:s18+$0x4410];
	[tilespmem:s19+$0xC420] =	vst v4;
	v0 =	vmul.f32 $5.656854150e+00, v0  }
.Ltmp1:
0x7d: {  	v4 =	vld [tilespmem:s18+$0x4420];
	[tilespmem:s19+$0xC430] =	vst v3;
	v1 =	vmul.f32 $5.656854150e+00, v1;
	(pc) =	sbr.rel @p1 .LBB2_5-.Ltmp1, $4  }
0x7e: {  	v3 =	vld [tilespmem:s18+$0x4430];
	[tilespmem:s19+$0xC440] =	vst v0;
	v2 =	vmul.f32 $5.656854150e+00, v2  }
0x7f: {  	v0 =	vld [tilespmem:s18+$0x4440];
	v7 =	vmul.f32 $5.656854150e+00, v7;
	[tilespmem:s19+$0xC450] =	vst v1  }
0x80: {  	v5 =	vmul.f32 $5.656854150e+00, v5;
	v1 =	vld [tilespmem:s18+$0x4450];
	[tilespmem:s19+$0xC460] =	vst v2;
	s19 =	smov.u32 s18  }
0x81: {  	s18 =	sshra.s32 s20, $0x2;
	s20 =	sadd.s32 $0x200, s20;
	v6 =	vmul.f32 $5.656854150e+00, v6;
	v2 =	vld [tilespmem:s19+$0x4460];
	[tilespmem:s19+$0xC470] =	vst v7  }
0x82: {  	v7 =	vld [tilespmem:s18+$0x4470];
	[tilespmem:s19+$0xC400] =	vst v5;
	v4 =	vmul.f32 $5.656854150e+00, v4  }
0x83: {  	v5 =	vld [tilespmem:s18+$0x4400];
	[tilespmem:s19+$0xC410] =	vst v6;
	v3 =	vmul.f32 $5.656854150e+00, v3  }
0x84: {  	v6 =	vld [tilespmem:s18+$0x4410];
	[tilespmem:s19+$0xC420] =	vst v4;
	v0 =	vmul.f32 $5.656854150e+00, v0  }
0x85: {  	v4 =	vld [tilespmem:s18+$0x4420];
	[tilespmem:s19+$0xC430] =	vst v3;
	v1 =	vmul.f32 $5.656854150e+00, v1  }
0x86: {  	v3 =	vld [tilespmem:s18+$0x4430];
	[tilespmem:s19+$0xC440] =	vst v0;
	v2 =	vmul.f32 $5.656854150e+00, v2  }
0x87: {  	v0 =	vld [tilespmem:s18+$0x4440];
	[tilespmem:s19+$0xC450] =	vst v1;
	v7 =	vmul.f32 $5.656854150e+00, v7  }
0x88: {  	v1 =	vld [tilespmem:s18+$0x4450];
	[tilespmem:s19+$0xC460] =	vst v2;
	v60 =	vmul.f32 $5.656854150e+00, v5  }
0x89: {  	v61 =	vld [tilespmem:s18+$0x4460];
	v6 =	vmul.f32 $5.656854150e+00, v6;
	[tilespmem:s18+$0xC470] =	vst v7  }
0x8a: {  	[tilespmem:s18+$0xC400] =	vst v60;
	v62 =	vmul.f32 $5.656854150e+00, v4  }
0x8b: {  	[tilespmem:s18+$0xC410] =	vst v6;
	v3 =	vmul.f32 $5.656854150e+00, v3  }
0x8c: {  	[tilespmem:s18+$0xC420] =	vst v62;
	v0 =	vmul.f32 $5.656854150e+00, v0  }
0x8d: {  	[tilespmem:s18+$0xC430] =	vst v3;
	v1 =	vmul.f32 $5.656854150e+00, v1  }
0x8e: {  	s17 =	sadd.s32 @!p0 s17, s10;
	[tilespmem:s18+$0xC440] =	vst v0;
	v63 =	vmul.f32 $5.656854150e+00, v61  }
0x8f: {  	s17 =	sshrl.u32 @!p0 s17, $0x3;
	[tilespmem:s18+$0xC450] =	vst v1  }
0x90: {  	s17 =	sadd.s32 @!p0 s4, s17;
	s19 =	simm.s32 @!p0 $0x200;
	[tilespmem:s18+$0xC460] =	vst v63;
	s18 =	simm.s32 @!p0 $0x0  }
0x91: {  	[tilespmem:s19], [sflag:$0x3] =	stream.linear.gather @!p0 [hbm4b:s17+s18], $0x200, $0x38;
	[tilespmem:$0x10400] =	vst v63  }
0x92: {  	s17 =	simm.s32 @!p0 $0x3  }
0x93: {  	_ =	swait.ge @!p0 [sflag:s17], $0x200  }
0x94: {  	[sflag:s17] =	ssyncset.done @!p0 $0x0  }
0x95: {  	s18 =	simm.s32 @!p0 $0x4400;
	[sflag:s17] =	ssyncadd.s32 @!p0 $0xFFFFFE00;
	s17 =	simm.s32 @!p0 $0x80  }
0x96: {  	[tilespmem:s18], [sflag:$0x2] =	stream.indirect.gather @!p0 [hbm4b:s6+s17], $0x20, s19, s17, $0xb8;
	[tilespmem:$0x10400] =	vst v63  }
0x97: {  	s18 =	simm.s32 @!p0 $0x280;
	s19 =	simm.s32 @!p0 $0x5400  }
0x98: {  	[tilespmem:s19], [sflag:$0x2] =	stream.indirect.gather @!p0 [hbm4b:s6+s17], $0x20, s18, s17, $0xb8;
	[tilespmem:$0x10400] =	vst v63  }
0x99: {  	s20 =	sshll.u32 s16, $0xC;
	s18 =	simm.s32 @!p0 $0x300;
	s19 =	simm.s32 @!p0 $0x6400  }
0x9a: {  	[tilespmem:s19], [sflag:$0x2] =	stream.indirect.gather @!p0 [hbm4b:s6+s17], $0x20, s18, s17, $0xb8;
	[tilespmem:$0x10400] =	vst v63  }
0x9b: {  	s16 =	sadd.s32 $0x1, s16;
	s18 =	simm.s32 @!p0 $0x380;
	s19 =	simm.s32 @!p0 $0x7400  }
0x9c: {  	[tilespmem:s19], [sflag:$0x2] =	stream.indirect.gather @!p0 [hbm4b:s6+s17], $0x20, s18, s17, $0xb8;
	[tilespmem:$0x10400] =	vst v63  }
0x9d: {  	p0 =	sne.s32 s16, $0x19  }
.Ltmp2:
0x9e: {  	s17 =	sadd.s32 s12, s20;
	(pc) =	sbr.rel @p0 .LBB2_2-.Ltmp2, $4  }
0x9f: {  	[hbm4b:s17+s3] =	stream.linear.scatter [tilespmem:s1], [sflag:$0x3], $0x4000, $0x38;
	[tilespmem:$0x10400] =	vst v63  }
0xa0: {  	_ =	swait.ge [sflag:s13], $0x4000  }
0xa1: {  	[sflag:s13] =	ssyncset.done $0x0  }
0xa2: {  	[sflag:s13] =	ssyncadd.s32 $0xFFFFC000  }
0xa3: {  	s15 =	sadd.s32 $0x1, s15  }
0xa4: {  	p0 =	sne.s32 s15, s11  }
.Ltmp3:
0xa5: {  	_ = 	snop;
	(pc) =	sbr.rel @p0 .LBB2_1-.Ltmp3, $1  }
0xa6: {  	_ =	sdelay $0x3  }
0xa7: {  	_ =	sfence.sel $0x180000  }
0xa8: {  	[bflag:$0x0] =	sbarrier.arrive $0xFFFF  }
0xa9: {  	_ =	strace $0x90000047  }
0xaa: {  	s0 =	stileid.u32;
	[bflag:$0x2] =	sbarrier.arrive $0xFFFF  }
0xab: {  	p0 =	sne.s32 s0, $0x0;
	s0 =	rddreg [dreg:$0x2]  }
0xac: {  	s0 =	sadd.s32 @!p0 $0x100000, s0  }
0xad: {  	[sflag:s0] =	ssyncadd.tile.s32 @!p0 $0x1;
	_ =	shalt  }
.Lfunc_end2:
_tile_overlayer_lowered:
.L_overlay_start_2:
0xae: {  	(tag) =	ssettag $0x2  }
0xaf: {  	s0 =	rddreg [dreg:$0x0];
	s2 =	stileid.u32  }
0xb0: {  	s1 =	rddreg [dreg:$0x1];
	p0 =	sne.s32 s2, $0x0  }
0xb1: {  	s3 =	rddreg [dreg:$0x2];
	[bflag:$0x3] =	sbarrier.arrive $0xFFFF;
	s2 =	simm.s32 @!p0 $0x1C03  }
0xb2: {  	[timem:s3], [sflag:s2] =	dma.local @!p0 [hbm:s0], s1  }
0xb3: {  	s0 =	simm.s32 @!p0 $0x3  }
0xb4: {  	_ =	swait.ge @!p0 [sflag:s0], s1  }
0xb5: {  	s1 =	ssub.s32 @!p0 $0x0, s1;
	[sflag:s0] =	ssyncset.done @!p0 $0x0  }
0xb6: {  	[sflag:s0] =	ssyncadd.s32 @!p0 s1  }
0xb7: {  	[bflag:$0x3] =	sbarrier.arrive $0xFFFF  }
0xb8: {  	_ =	shalt  }

// kernel: sparse-core-data-format-call.cloned.1.call-start
scs
called_computation_lowered:
.L_overlay_start_0:
0x0: {  	s2 =	sld [smem:$0x3FD9]  }
0x1: {  	s3 =	sld [smem:$0x3FFE];
	_ =	sdelay $0x1  }
0x2: {  	s1 =	srdreg.scid  }
0x3: {  	s0 =	sand.u32 $0x1, s1  }
0x4: {  	s18 =	sshll.u32 s0, $0xA;
	s2 =	sadd.s32 s3, s2  }
0x5: {  	s2 =	sadd.s32 s2, s18  }
0x6: {  	[smem:$0x3FC6] =	sst s2  }
0x7: {  	_ = 	snop  }
0x8: {  	s2 =	sld [smem:$0x3FD0];
	(tm) =	ssettm $0x1  }
0x9: {  	s19 =	sld [smem:$0x3FFB];
	_ =	sdelay $0x3  }
0xa: {  	_ =	strace s19  }
0xb: {  	s3 =	sld [smem:$0x3FFC];
	_ =	sdelay $0x3  }
0xc: {  	_ =	strace s3  }
0xd: {  	s3 =	sld [smem:$0x3FFD];
	_ =	sdelay $0x3  }
0xe: {  	_ =	strace s3  }
0xf: {  	_ =	strace $0x8FFFFFFF  }
0x10: {  	s20 =	sld [smem:$0x3FDB];
	_ =	sdelay $0x1  }
0x11: {  	s4 =	simm.s32 $_scs_section_size  }
0x12: {  	s5 =	simm.s32 $_size__tile_overlayer_lowered;
	s6 =	simm.s32 $_tile_overlayer_lowered  }
0x13: {  	s23 =	simm.s32 $0x1BFF;
	s22 =	sshll.u32 s6, $0x1;
	s3 =	sadd.s32 s4, s20  }
0x14: {  	s7 =	simm.s32 $0x0;
	s21 =	sshll.u32 s5, $0x1;
	s5 =	sadd.s32 s22, s3  }
0x15: {  	[timem:s7], [sflag:s23] =	dma.local [hbm:s5], s21  }
0x16: {  	_ =	swait.ge [sflag:s23], s21  }
0x17: {  	s4 =	ssub.s32 $0x0, s21;
	[sflag:s23] =	ssyncset.done $0x0  }
0x18: {  	[sflag:s23] =	ssyncadd.s32 s4;
	_ =	sdelay $0x1  }
0x19: {  	s24 =	simm.s32 $0x1B8B  }
0x1a: {  	_ =	swait.ge [sflag:s24], $0x1  }
0x1b: {  	[sflag:s24] =	ssyncset.done $0x0  }
0x1c: {  	s26 =	simm.s32 $0x1B8E;
	s25 =	sld [smem:$0x3FFE];
	[sflag:s24] =	ssyncadd.s32 $0xFFFFFFFF  }
0x1d: {  	s27 =	simm.s32 $execute0_lowered;
	[smem:$0x3FD2] =	sst s26  }
0x1e: {  	s5 =	sshll.u32 s27, $0x1;
	_ =	strace $0x80000049;
	[dreg:$0x1] =	wrdreg $0xFFFFFFFF  }
0x1f: {  	s28 =	simm.s32 $_size_execute0_lowered;
	s3 =	sadd.s32 s3, s5;
	[dreg:$0x0] =	wrdreg $0x0  }
0x20: {  	s5 =	sshll.u32 s28, $0x1;
	[dreg:$0x2] =	wrdreg s3  }
0x21: {  	[dreg:$0x3] =	wrdreg s5  }
0x22: {  	[dreg:$0x4] =	wrdreg $0xC0  }
0x23: {  	_ =	task [dreg:s7], $0x5FFFF  }
0x24: {  	[dreg:$0x1] =	wrdreg $0xFFFFFFFF  }
0x25: {  	[dreg:$0x0] =	wrdreg $0x60  }
0x26: {  	[dreg:$0x2] =	wrdreg s25  }
0x27: {  	[dreg:$0x3] =	wrdreg s2  }
0x28: {  	[dreg:$0x4] =	wrdreg $0x9  }
0x29: {  	_ =	task.clear_ibuf [dreg:s7], $0x5FFFF;
	_ =	strace $0x90000049  }
0x2a: {  	s29 =	simm.s32 $0x9;
	_ =	strace $0x8000004B  }
0x2b: {  	_ =	swait.ge [sflag:s29], $0x1  }
0x2c: {  	[sflag:s29] =	ssyncadd.s32 $0xFFFFFFFF  }
0x2d: {  	_ =	strace $0x9000004B  }
0x2e: {  	_ =	sfence  }
0x2f: {  	s30 =	sld [smem:$0x0];
	_ =	sdelay $0x2  }
0x30: {  	s31 =	sshll.u32 s1, $0xD;
	s1 =	sshrl.u32 s1, $0x2  }
0x31: {  	s3 =	sand.u32 $0x4000, s31;
	s1 =	sadd.s32 s1, s30  }
0x32: {  	s0 =	sor.u32 s3, s0;
	s1 =	sshll.u32 s1, $0x11  }
0x33: {  	s0 =	sor.u32 s1, s0  }
0x34: {  	s0 =	sadd.s32 $0x8F2B, s0  }
0x35: {  	[sflag:s0] =	ssyncadd.remote.s32 $0x1  }
0x36: {  	_ =	sfence.sel $0xFFFF  }
0x37: {  	[dreg:$0x0] =	wrdreg $0xFFFFFFFF;
	(pc) =	sbr.abs _section_cstart, $3  }
0x38: {  	[dreg:$0x1] =	wrdreg $0xFFFFFFFF  }
0x39: {  	_ =	task.clear_ibuf [dreg:s7], $0x2FFFF;
	_ =	strace $0x9FFFFFFF  }
0x3a: {  	(tm) =	ssettm $0x7FFFFFFF  }
0x3b: {  	_ =	shalt  }
tec
execute0_lowered:
.L_overlay_start_1:
0x0: {  	(tag) =	ssettag $0x1  }
0x1: {  	s0 =	srdreg.scid  }
0x2: {  	s1 =	sshll.u32 s0, $0x4  }
0x3: {  	s0 =	stileid.u32;
	s1 =	sand.u32 $0x10, s1  }
0x4: {  	s1 =	sor.u32 s0, s1  }
0x5: {  	s6 =	rddreg [dreg:$0x0];
	s4 =	simm.s32 $0x1;
	s2 =	sshll.u32 s1, $0x7  }
0x6: {  	s7 =	simm.s32 $0x2;
	s12 =	simm.s32 $0x0;
	s1 =	ssub.s32 $0x4000, s2  }
0x7: {  	s8 =	simm.s32 $0x20000;
	s13 =	simm.s32 $0x0;
	s3 =	sand.u32 $0xF80, s1  }
0x8: {  	s9 =	simm.s32 $0x0;
	s5 =	sshrl.u32 s1, $0xC;
	p0 =	sne.s32 s3, $0x0  }
.Ltmp0:
0x9: {  	s1 =	rddreg [dreg:$0x2];
	s4 =	simm.s32 @!p0 $0x0;
	(pc) =	sbr.rel .LBB1_1-.Ltmp0, $4  }
0xa: {  	s11 =	simm.s32 $0x0;
	s3 =	rddreg [dreg:$0x1];
	s5 =	sadd.s32 s4, s5  }
0xb: {  	_ =	strace $0x8000004A;
	s4 =	simm.s32 $0x1;
	s5 =	smul.u32 $0x32, s5  }
0xc: {  	s6 =	sadd.s32 $0xA00, s6;
	s10 =	smov.u32 s2;
	[sflag:s4] =	ssyncpa.u1 $0x0  }
0xd: {  	p0 =	por $0x0, $0x0;
	[sflag:s7] =	ssyncpa.u1 $0x0;
	s7 =	sor.u32 $0x1, s5  }
.LBB1_4:
0xe: {  	s16 =	sshll.u32 s13, $0x3;
	s17 =	sand.u32 $0x78, s13  }
0xf: {  	s30 =	sand.u32 $0xF800, s13;
	s12 =	sshll.u32 s12, $0x10;
	s16 =	sand.u32 $0x3C00, s16  }
0x10: {  	s31 =	sand.u32 $0x7, s13;
	s16 =	sor.u32 s17, s16;
	s17 =	sadd.s32 s3, s30  }
0x11: {  	s13 =	sshll.u32 s31, $0x12;
	s16 =	sshrl.u32 s16, $0x3;
	s12 =	sadd.s32 s12, s17  }
0x12: {  	[tilespmem:s15+$0x0 ss:$0x81] =	vst.msk $0xffff, v0;
	s13 =	sor.u32 $0x400, s13;
	s12 =	sadd.s32 s16, s12  }
0x13: {  	[hbm4b:s12+s13] =	stream.strided.scatter [tilespmem:s14], [sflag:$0x2], $0x1000, s8, s13, $0x20;
	[tilespmem:$0x4040] =	vst v63  }
.LBB1_5:
0x14: {  	s14 =	sadd.s32 $0x1, s9  }
0x15: {  	s12 =	sadd.s32 $0x1000, s10;
	s16 =	smov.u32 s10;
	p2 =	sgt.s32 s14, $0x31  }
0x16: {  	s16 =	smov.u32 @p2 s12  }
0x17: {  	s14 =	simm.s32 @p2 $0x0;
	p2 =	sgt.s32 s16, $0x3FFF  }
0x18: {  	s16 =	smov.u32 @p2 s2;
	p2 =	sne.s32 s11, s7  }
.Ltmp1:
0x19: {  	p1 =	slt.u32 s11, $0x2;
	(pc) =	sbr.rel @!p2 .LBB1_6-.Ltmp1, $4  }
0x1a: {  	s15 =	simm.s32 @!p1 $0x2  }
0x1b: {  	s13 =	smov.u32 s10;
	p0 =	por !p0, !p0;
	_ =	swait.ge @!p1 [sflag:s15], $0x1000  }
0x1c: {  	s12 =	smov.u32 s9;
	[sflag:s15] =	ssyncset.done @!p1 $0x0;
	s9 =	smov.u32 s14  }
0x1d: {  	s11 =	sadd.s32 $0x1, s11;
	[sflag:s15] =	ssyncadd.s32 @!p1 $0xFFFFF000;
	s10 =	smov.u32 s16  }
.LBB1_1:
0x1e: {  	p1 =	sge.u32 s11, s5  }
0x1f: {  	s14 =	sand.u32 @!p1 $0x1FFFFFF, s9  }
0x20: {  	s15 =	smulhi.u32 @!p1 $0x4924925, s14;
	_ =	sdelay $0x1  }
0x21: {  	s15 =	smul.u32 @!p1 $0x38, s15  }
0x22: {  	s16 =	sxor.u32 @!p1 $0xFFFFFFFF, s11;
	s17 =	smul.u32 @!p1 $0x380, s10  }
0x23: {  	s31 =	sadd.s32 $0xFFFFFFFF, s11;
	s16 =	sshll.u32 @!p1 s16, $0xC;
	s14 =	ssub.s32 @!p1 s14, s15  }
0x24: {  	s15 =	sand.u32 @!p1 $0x1000, s16;
	s16 =	sadd.s32 @!p1 s6, s17;
	s14 =	sshll.u32 @!p1 s14, $0x4  }
0x25: {  	s17 =	simm.s32 @!p1 $0x1C00;
	s14 =	sadd.s32 @!p1 s14, s16;
	s16 =	simm.s32 @!p1 $0x20  }
0x26: {  	[tilespmem:s15], [sflag:$0x1] =	stream.strided.gather @!p1 [hbm4b:s14+s16], $0x1000, s17, s16, $0x38;
	[tilespmem:$0x4040] =	vst v63  }
0x27: {  	p1 =	sge.u32 s31, s5  }
.Ltmp2:
0x28: {  	_ = 	snop;
	(pc) =	sbr.rel @p1 .LBB1_5-.Ltmp2, $1  }
0x29: {  	_ =	sdelay $0x3  }
0x2a: {  	s14 =	simm.s32 $0x1  }
0x2b: {  	_ =	swait.ge [sflag:s4], $0x1000;
	s14 =	simm.s32 @!p0 $0x0  }
0x2c: {  	[sflag:s4] =	ssyncset.done $0x0;
	s15 =	sshll.u32 s14, $0xC  }
0x2d: {  	[sflag:s4] =	ssyncadd.s32 $0xFFFFF000;
	s18 =	sor.u32 $0x10, s15  }
0x2e: {  	s14 =	smul.u32 $0x4080, s14;
	v1 =	vld [tilespmem:s18+$0x0]  }
0x2f: {  	s30 =	sand.u32 $0x1, s11;
	v0 =	vld [tilespmem:s18+$0xFFFFFFF0]  }
0x30: {  	s15 =	smul.u32 $0x4080, s30;
	s14 =	sshrl.u32 s14, $0x2  }
0x31: {  	s16 =	sor.u32 $0x2000, s14  }
0x32: {  	s31 =	sshrl.u32 s15, $0x2;
	s15 =	sadd.s32 $0x0, s16  }
0x33: {  	s17 =	simm.s32 $0x4;
	s18 =	sadd.s32 $0x20, s18;
	s14 =	sor.u32 $0x2000, s31;
	[tilespmem:s15+$0x810 ss:$0x81] =	vst.msk $0xffff, v1  }
.LBB1_3:
0x34: {  	v1 =	vld [tilespmem:s18+$0x0];
	p1 =	sne.s32 s17, $0x1FC;
	[tilespmem:s15+$0x0 ss:$0x81] =	vst.msk $0xffff, v0;
	s15 =	smov.u32 s17;
	s17 =	sadd.s32 $0x4, s17  }
.Ltmp3:
0x35: {  	v0 =	vld [tilespmem:s18+$0xFFFFFFF0];
	(pc) =	sbr.rel @p1 .LBB1_3-.Ltmp3, $4  }
0x36: {  	_ = 	snop  }
0x37: {  	s15 =	sshra.s32 s15, $0x2  }
0x38: {  	s15 =	sadd.s32 s15, s16  }
0x39: {  	s18 =	sadd.s32 $0x20, s18;
	[tilespmem:s15+$0x810 ss:$0x81] =	vst.msk $0xffff, v1  }
.Ltmp4:
0x3a: {  	_ = 	snop;
	(pc) =	sbr.rel .LBB1_4-.Ltmp4, $1  }
0x3b: {  	_ =	sdelay $0x3  }
.LBB1_6:
0x3c: {  	_ =	sfence.sel $0x180000  }
0x3d: {  	s2 =	simm.s32 $0x1;
	[bflag:$0x0] =	sbarrier.arrive $0xFFFF  }
0x3e: {  	s31 =	simm.s32 $0x2;
	[sflag:s2] =	ssyncpa.u1 $0x1  }
0x3f: {  	[sflag:s31] =	ssyncpa.u1 $0x1  }
0x40: {  	p0 =	sne.s32 s0, $0x0;
	_ =	strace $0x9000004A  }
0x41: {  	s0 =	sadd.s32 @!p0 $0x100000, s1;
	[bflag:$0x2] =	sbarrier.arrive $0xFFFF  }
0x42: {  	[sflag:s0] =	ssyncadd.tile.s32 @!p0 $0x1;
	_ =	shalt  }
.Lfunc_end1:
_tile_overlayer_lowered:
.L_overlay_start_2:
0x43: {  	(tag) =	ssettag $0x2  }
0x44: {  	s0 =	rddreg [dreg:$0x0];
	s2 =	stileid.u32  }
0x45: {  	s1 =	rddreg [dreg:$0x1];
	p0 =	sne.s32 s2, $0x0  }
0x46: {  	s3 =	rddreg [dreg:$0x2];
	[bflag:$0x3] =	sbarrier.arrive $0xFFFF;
	s2 =	simm.s32 @!p0 $0x1C01  }
0x47: {  	[timem:s3], [sflag:s2] =	dma.local @!p0 [hbm:s0], s1  }
0x48: {  	s0 =	simm.s32 @!p0 $0x1  }
0x49: {  	_ =	swait.ge @!p0 [sflag:s0], s1  }
0x4a: {  	s1 =	ssub.s32 @!p0 $0x0, s1;
	[sflag:s0] =	ssyncset.done @!p0 $0x0  }
0x4b: {  	[sflag:s0] =	ssyncadd.s32 @!p0 s1  }
0x4c: {  	[bflag:$0x3] =	sbarrier.arrive $0xFFFF  }
0x4d: {  	_ =	shalt  }

</sc_bundles>
